<compile_context>
chip_gen: v7x
topology: tpu7x:2x2x1
jax: 0.10.2.dev20260603
libtpu: 0.0.44.dev20260713+nightly
codegen_flags: <defaults>
</compile_context>

<pallas_src>
import functools

import jax
import jax.numpy as jnp
from jax import lax
from jax.experimental import pallas as pl
from jax.experimental.pallas import tpu as pltpu
from jax.experimental.pallas import tpu_sc as plsc

NC = 2
NS = 16
NW = NC * NS
LANES = 128

G = 32
LATENT = 64


def _mesh():
  return plsc.VectorSubcoreMesh(
      core_axis_name="c", subcore_axis_name="s", num_cores=NC,
      num_subcores=NS)


def _make_deg(n_pad, k):
  rs = n_pad // NS

  @functools.partial(
      pl.kernel,
      mesh=_mesh(),
      compiler_params=pltpu.CompilerParams(use_tc_tiling_on_sc=False),
      out_type=jax.ShapeDtypeStruct((NC, n_pad), jnp.float32),
      scratch_types=[
          pltpu.VMEM((k, LANES), jnp.int32),
          pltpu.VMEM((LANES,), jnp.float32),
          pltpu.VMEM_SHARED((n_pad,), jnp.float32),
      ],
  )
  def deg_kernel(dst_hbm, out_hbm, idx_v, ones_v, accum):
    c = lax.axis_index("c")
    s = lax.axis_index("s")
    wid = c * NS + s
    for i in range(LANES // 16):
      ones_v[pl.ds(i * 16, 16)] = jnp.ones((16,), jnp.float32)
    for j in range(rs // LANES):
      pltpu.sync_copy(ones_v, accum.at[pl.ds(s * rs + j * LANES, LANES)])
    pltpu.sync_copy(dst_hbm.at[wid], idx_v)
    plsc.subcore_barrier()

    def body(j, carry):
      pltpu.sync_copy(ones_v, accum.at[idx_v.at[j]], add=True)
      return carry

    lax.fori_loop(0, k, body, 0)
    plsc.subcore_barrier()
    pltpu.sync_copy(accum.at[pl.ds(s * rs, rs)],
                    out_hbm.at[c, pl.ds(s * rs, rs)])

  return deg_kernel


def _make_agg(n_pad, k, f):
  rs = n_pad // NS

  @functools.partial(
      pl.kernel,
      mesh=_mesh(),
      compiler_params=pltpu.CompilerParams(use_tc_tiling_on_sc=False),
      out_type=jax.ShapeDtypeStruct((NC, n_pad, f), jnp.float32),
      scratch_types=[
          pltpu.VMEM((k, LANES), jnp.int32),
          pltpu.VMEM((k, LANES), jnp.int32),
          pltpu.VMEM((LANES, f), jnp.float32),
          pltpu.VMEM_SHARED((n_pad, f), jnp.float32),
          pltpu.SemaphoreType.DMA,
      ],
  )
  def agg_kernel(src_hbm, dst_hbm, msg_hbm, out_hbm, src_v, dst_v, rows_v,
                 accum, sem):
    c = lax.axis_index("c")
    s = lax.axis_index("s")
    wid = c * NS + s
    pltpu.sync_copy(msg_hbm.at[pl.ds(s * rs, rs), :],
                    accum.at[pl.ds(s * rs, rs), :])
    pltpu.sync_copy(src_hbm.at[wid], src_v)
    pltpu.sync_copy(dst_hbm.at[wid], dst_v)
    plsc.subcore_barrier()

    def body(j, carry):
      pltpu.async_copy(msg_hbm.at[src_v.at[j]], rows_v, sem).wait()
      pltpu.sync_copy(rows_v, accum.at[dst_v.at[j]], add=True)
      return carry

    lax.fori_loop(0, k, body, 0)
    plsc.subcore_barrier()
    pltpu.sync_copy(accum.at[pl.ds(s * rs, rs), :],
                    out_hbm.at[c, pl.ds(s * rs, rs), :])

  return agg_kernel


def _dinv_block(d0b, d1b):
  deg = d0b + d1b - 1.0
  return lax.rsqrt(jnp.maximum(deg, 1.0))


def _msg1_body(x_ref, w_ref, d0_ref, d1_ref, out_ref):
  xw = jnp.dot(x_ref[...], w_ref[...], preferred_element_type=jnp.float32)
  out_ref[...] = xw * _dinv_block(d0_ref[...], d1_ref[...])


def _msg2_body(p0_ref, p1_ref, m1_ref, d0_ref, d1_ref, b1_ref, w2_ref,
               out_ref):
  dinv = _dinv_block(d0_ref[...], d1_ref[...])
  h1 = dinv * (p0_ref[...] + p1_ref[...] - m1_ref[...]) + b1_ref[...]
  h1 = jnp.maximum(h1, 0.0)
  xw2 = jnp.dot(h1, w2_ref[...], preferred_element_type=jnp.float32)
  out_ref[...] = xw2 * dinv


def _final_body(q0_ref, q1_ref, m2_ref, d0_ref, d1_ref, b2_ref, batch_ref,
                fc1w_ref, fc1b_ref, fc2w_ref, fc2b_ref, out_ref):
  n_pad = q0_ref.shape[0]
  dinv = _dinv_block(d0_ref[...], d1_ref[...])
  h2 = dinv * (q0_ref[...] + q1_ref[...] - m2_ref[...]) + b2_ref[...]
  b_flat = batch_ref[...]
  gids = lax.broadcasted_iota(jnp.int32, (G, n_pad), 0)
  seg = jnp.where(gids == b_flat, 1.0, 0.0)
  sums = jnp.dot(seg, h2, preferred_element_type=jnp.float32)
  cnt = jnp.sum(seg, axis=1, keepdims=True)
  pooled = sums / jnp.maximum(cnt, 1.0)
  z = jnp.dot(pooled, fc1w_ref[...], preferred_element_type=jnp.float32)
  z = jnp.maximum(z + fc1b_ref[...], 0.0)
  out_ref[...] = (
      jnp.dot(z, fc2w_ref[...], preferred_element_type=jnp.float32)
      + fc2b_ref[...])


def kernel(x, edge_index, batch, conv1_W, conv1_b, conv2_W, conv2_b,
           fc1_W, fc1_b, fc2_W, fc2_b):
  n, f_in = x.shape
  e = edge_index.shape[1]
  f1 = conv1_W.shape[1]
  f2 = conv2_W.shape[1]

  blk = 1024
  n_pad = ((n + 1 + blk - 1) // blk) * blk
  per_tile = -(-e // NW)
  k = -(-per_tile // LANES)
  e_pad = NW * k * LANES

  x_pad = jnp.concatenate(
      [x, jnp.zeros((n_pad - n, f_in), jnp.float32)], axis=0)
  pad_idx = jnp.full((e_pad - e,), n, jnp.int32)
  src = jnp.concatenate([edge_index[0].astype(jnp.int32), pad_idx])
  dst = jnp.concatenate([edge_index[1].astype(jnp.int32), pad_idx])
  src_t = src.reshape(NW, k, LANES)
  dst_t = dst.reshape(NW, k, LANES)
  batch_pad = jnp.concatenate(
      [batch.astype(jnp.int32), jnp.full((n_pad - n,), G, jnp.int32)])
  batch_r = batch_pad.reshape(1, n_pad)

  d_part = _make_deg(n_pad, k)(dst_t)
  d0r = d_part[0].reshape(n_pad, 1)
  d1r = d_part[1].reshape(n_pad, 1)

  grid = n_pad // blk
  dspec = pl.BlockSpec((blk, 1), lambda i: (i, 0))

  msg1 = pl.pallas_call(
      _msg1_body,
      grid=(grid,),
      in_specs=[
          pl.BlockSpec((blk, f_in), lambda i: (i, 0)),
          pl.BlockSpec((f_in, f1), lambda i: (0, 0)),
          dspec, dspec,
      ],
      out_specs=pl.BlockSpec((blk, f1), lambda i: (i, 0)),
      out_shape=jax.ShapeDtypeStruct((n_pad, f1), jnp.float32),
  )(x_pad, conv1_W, d0r, d1r)

  p = _make_agg(n_pad, k, f1)(src_t, dst_t, msg1)

  msg2 = pl.pallas_call(
      _msg2_body,
      grid=(grid,),
      in_specs=[
          pl.BlockSpec((blk, f1), lambda i: (i, 0)),
          pl.BlockSpec((blk, f1), lambda i: (i, 0)),
          pl.BlockSpec((blk, f1), lambda i: (i, 0)),
          dspec, dspec,
          pl.BlockSpec((1, f1), lambda i: (0, 0)),
          pl.BlockSpec((f1, f2), lambda i: (0, 0)),
      ],
      out_specs=pl.BlockSpec((blk, f2), lambda i: (i, 0)),
      out_shape=jax.ShapeDtypeStruct((n_pad, f2), jnp.float32),
  )(p[0], p[1], msg1, d0r, d1r, conv1_b.reshape(1, f1), conv2_W)

  q = _make_agg(n_pad, k, f2)(src_t, dst_t, msg2)

  out = pl.pallas_call(
      _final_body,
      grid=(1,),
      in_specs=[
          pl.BlockSpec((n_pad, f2), lambda i: (0, 0)),
          pl.BlockSpec((n_pad, f2), lambda i: (0, 0)),
          pl.BlockSpec((n_pad, f2), lambda i: (0, 0)),
          pl.BlockSpec((n_pad, 1), lambda i: (0, 0)),
          pl.BlockSpec((n_pad, 1), lambda i: (0, 0)),
          pl.BlockSpec((1, f2), lambda i: (0, 0)),
          pl.BlockSpec((1, n_pad), lambda i: (0, 0)),
          pl.BlockSpec(fc1_W.shape, lambda i: (0, 0)),
          pl.BlockSpec((1, fc1_b.shape[0]), lambda i: (0, 0)),
          pl.BlockSpec(fc2_W.shape, lambda i: (0, 0)),
          pl.BlockSpec((1, fc2_b.shape[0]), lambda i: (0, 0)),
      ],
      out_specs=pl.BlockSpec((G, 2 * LATENT), lambda i: (0, 0)),
      out_shape=jax.ShapeDtypeStruct((G, 2 * LATENT), jnp.float32),
  )(q[0], q[1], msg2, d0r, d1r, conv2_b.reshape(1, f2), batch_r,
    fc1_W, fc1_b.reshape(1, -1), fc2_W, fc2_b.reshape(1, -1))

  return (out[:, :LATENT], out[:, LATENT:])

# --- scband reference (transcript-rebuilt; emitter-appended) ---
"""Pipeline reference for scband-encoder-65274912964645 (READ-ONLY COPY).

The authoritative reference and input builder live on the scoring server;
editing this copy changes nothing except your own understanding.
"""

import jax, jax.numpy as jnp
import numpy as np

N = 10000
E = 320000
F_IN = 128
G = 32
LATENT = 64


def setup_inputs(seed: int = 0) -> dict:
    key = jax.random.key(seed)
    ks = jax.random.split(key, 12)
    x = jax.random.normal(ks[0], (N, F_IN), dtype=jnp.float32)
    edge_index = jax.random.randint(ks[1], (2, E), 0, N)
    batch = jnp.sort(jax.random.randint(ks[2], (N,), 0, G))
    conv1_W = jax.random.normal(ks[3], (F_IN, 32), dtype=jnp.float32) * 0.05
    conv1_b = jnp.zeros((32,), dtype=jnp.float32)
    conv2_W = jax.random.normal(ks[4], (32, 64), dtype=jnp.float32) * 0.05
    conv2_b = jnp.zeros((64,), dtype=jnp.float32)
    fc1_W = jax.random.normal(ks[5], (64, 128), dtype=jnp.float32) * 0.05
    fc1_b = jnp.zeros((128,), dtype=jnp.float32)
    fc2_W = jax.random.normal(ks[6], (128, 2 * LATENT), dtype=jnp.float32) * 0.05
    fc2_b = jnp.zeros((2 * LATENT,), dtype=jnp.float32)
    return {"x": x, "edge_index": edge_index, "batch": batch,
            "conv1_W": conv1_W, "conv1_b": conv1_b,
            "conv2_W": conv2_W, "conv2_b": conv2_b,
            "fc1_W": fc1_W, "fc1_b": fc1_b,
            "fc2_W": fc2_W, "fc2_b": fc2_b}


def gcn_conv(x, edge_index, W, b):
    # PyG GCNConv: add self-loops, symmetric normalization D^-1/2 A_hat D^-1/2
    n = x.shape[0]
    loop = jnp.arange(n)
    src = jnp.concatenate([edge_index[0], loop])
    dst = jnp.concatenate([edge_index[1], loop])
    deg = jnp.zeros((n,), x.dtype).at[dst].add(1.0)
    deg_inv_sqrt = jax.lax.rsqrt(jnp.maximum(deg, 1.0))
    norm = deg_inv_sqrt[src] * deg_inv_sqrt[dst]
    xw = x @ W
    msg = xw[src] * norm[:, None]
    out = jnp.zeros((n, W.shape[1]), x.dtype).at[dst].add(msg)
    return out + b


def reference(x, edge_index, batch, conv1_W, conv1_b, conv2_W, conv2_b,
              fc1_W, fc1_b, fc2_W, fc2_b):
    h = jax.nn.relu(gcn_conv(x, edge_index, conv1_W, conv1_b))
    h = gcn_conv(h, edge_index, conv2_W, conv2_b)
    # global_mean_pool
    s = jax.ops.segment_sum(h, batch, num_segments=G)
    cnt = jax.ops.segment_sum(jnp.ones((h.shape[0], 1), h.dtype), batch, num_segments=G)
    pooled = s / jnp.maximum(cnt, 1.0)
    h = jax.nn.relu(pooled @ fc1_W + fc1_b)
    h = h @ fc2_W + fc2_b
    mu = h[:, :LATENT]
    log_sigma = h[:, LATENT:]
    return (mu, log_sigma)

if __name__ == "__main__":
    import jax
    _d = setup_inputs()
    print(jax.jit(kernel)(*tuple(_d.values())))

</pallas_src>

<mosaic_0001>
#map = affine_map<(d0, d1) -> (0, 0, 0)>
#map1 = affine_map<(d0, d1) -> (0, 0)>
module attributes {stable_mosaic.version = 14 : i64} {
  func.func @deg_kernel(%arg0: i32, %arg1: i32, %arg2: memref<32x79x128xi32, #tpu.memory_space<hbm>>, %arg3: memref<2x10240xf32, #tpu.memory_space<hbm>>, %arg4: memref<79x128xi32, #tpu.memory_space<vmem>>, %arg5: memref<128xf32, #tpu.memory_space<vmem>>, %arg6: memref<10240xf32, #tpu.memory_space<vmem_shared>>) attributes {dimension_semantics = [#tpu.dimension_semantics<core_parallel>, #tpu.dimension_semantics<subcore_parallel>], iteration_bounds = array<i64: 2, 16>, scalar_prefetch = 0 : i64, scratch_operands = 3 : i64, tpu.core_type = #tpu.core_type<sc_vector_subcore>, window_params = [{transform_indices = #map}, {transform_indices = #map1}]} {
    %mul3A = arith.constant 16 : i32
    %mul3A_0 = arith.muli %arg0, %mul3A : i32
    %add3A = arith.addi %mul3A_0, %arg1 : i32
    %broadcast_in_dim3A = arith.constant 1.000000e+00 : f32
    %broadcast_in_dim3A_1 = vector.broadcast %broadcast_in_dim3A : f32 to vector<16xf32>
    %swap3A = arith.constant 0 : index
    %swap3A_2 = tpu.vector_load %arg5[%swap3A] {strides = array<i32>} : memref<128xf32, #tpu.memory_space<vmem>>, vector<16xf32>,
    %swap3A_3 = vector.shape_cast %swap3A_2 : vector<16xf32> to vector<16xf32>
    %swap3A_4 = vector.shape_cast %broadcast_in_dim3A_1 : vector<16xf32> to vector<16xf32>
    tpu.vector_store %arg5[%swap3A], %swap3A_4 {strides = array<i32>} : memref<128xf32, #tpu.memory_space<vmem>>, vector<16xf32>,
    %broadcast_in_dim3A_5 = arith.constant 1.000000e+00 : f32
    %broadcast_in_dim3A_6 = vector.broadcast %broadcast_in_dim3A_5 : f32 to vector<16xf32>
    %swap3A_7 = arith.constant 16 : index
    %swap3A_8 = tpu.vector_load %arg5[%swap3A_7] {strides = array<i32>} : memref<128xf32, #tpu.memory_space<vmem>>, vector<16xf32>,
    %swap3A_9 = vector.shape_cast %swap3A_8 : vector<16xf32> to vector<16xf32>
    %swap3A_10 = vector.shape_cast %broadcast_in_dim3A_6 : vector<16xf32> to vector<16xf32>
    tpu.vector_store %arg5[%swap3A_7], %swap3A_10 {strides = array<i32>} : memref<128xf32, #tpu.memory_space<vmem>>, vector<16xf32>,
    %broadcast_in_dim3A_11 = arith.constant 1.000000e+00 : f32
    %broadcast_in_dim3A_12 = vector.broadcast %broadcast_in_dim3A_11 : f32 to vector<16xf32>
    %swap3A_13 = arith.constant 32 : index
    %swap3A_14 = tpu.vector_load %arg5[%swap3A_13] {strides = array<i32>} : memref<128xf32, #tpu.memory_space<vmem>>, vector<16xf32>,
    %swap3A_15 = vector.shape_cast %swap3A_14 : vector<16xf32> to vector<16xf32>
    %swap3A_16 = vector.shape_cast %broadcast_in_dim3A_12 : vector<16xf32> to vector<16xf32>
    tpu.vector_store %arg5[%swap3A_13], %swap3A_16 {strides = array<i32>} : memref<128xf32, #tpu.memory_space<vmem>>, vector<16xf32>,
    %broadcast_in_dim3A_17 = arith.constant 1.000000e+00 : f32
    %broadcast_in_dim3A_18 = vector.broadcast %broadcast_in_dim3A_17 : f32 to vector<16xf32>
    %swap3A_19 = arith.constant 48 : index
    %swap3A_20 = tpu.vector_load %arg5[%swap3A_19] {strides = array<i32>} : memref<128xf32, #tpu.memory_space<vmem>>, vector<16xf32>,
    %swap3A_21 = vector.shape_cast %swap3A_20 : vector<16xf32> to vector<16xf32>
    %swap3A_22 = vector.shape_cast %broadcast_in_dim3A_18 : vector<16xf32> to vector<16xf32>
    tpu.vector_store %arg5[%swap3A_19], %swap3A_22 {strides = array<i32>} : memref<128xf32, #tpu.memory_space<vmem>>, vector<16xf32>,
    %broadcast_in_dim3A_23 = arith.constant 1.000000e+00 : f32
    %broadcast_in_dim3A_24 = vector.broadcast %broadcast_in_dim3A_23 : f32 to vector<16xf32>
    %swap3A_25 = arith.constant 64 : index
    %swap3A_26 = tpu.vector_load %arg5[%swap3A_25] {strides = array<i32>} : memref<128xf32, #tpu.memory_space<vmem>>, vector<16xf32>,
    %swap3A_27 = vector.shape_cast %swap3A_26 : vector<16xf32> to vector<16xf32>
    %swap3A_28 = vector.shape_cast %broadcast_in_dim3A_24 : vector<16xf32> to vector<16xf32>
    tpu.vector_store %arg5[%swap3A_25], %swap3A_28 {strides = array<i32>} : memref<128xf32, #tpu.memory_space<vmem>>, vector<16xf32>,
    %broadcast_in_dim3A_29 = arith.constant 1.000000e+00 : f32
    %broadcast_in_dim3A_30 = vector.broadcast %broadcast_in_dim3A_29 : f32 to vector<16xf32>
    %swap3A_31 = arith.constant 80 : index
    %swap3A_32 = tpu.vector_load %arg5[%swap3A_31] {strides = array<i32>} : memref<128xf32, #tpu.memory_space<vmem>>, vector<16xf32>,
    %swap3A_33 = vector.shape_cast %swap3A_32 : vector<16xf32> to vector<16xf32>
    %swap3A_34 = vector.shape_cast %broadcast_in_dim3A_30 : vector<16xf32> to vector<16xf32>
    tpu.vector_store %arg5[%swap3A_31], %swap3A_34 {strides = array<i32>} : memref<128xf32, #tpu.memory_space<vmem>>, vector<16xf32>,
    %broadcast_in_dim3A_35 = arith.constant 1.000000e+00 : f32
    %broadcast_in_dim3A_36 = vector.broadcast %broadcast_in_dim3A_35 : f32 to vector<16xf32>
    %swap3A_37 = arith.constant 96 : index
    %swap3A_38 = tpu.vector_load %arg5[%swap3A_37] {strides = array<i32>} : memref<128xf32, #tpu.memory_space<vmem>>, vector<16xf32>,
    %swap3A_39 = vector.shape_cast %swap3A_38 : vector<16xf32> to vector<16xf32>
    %swap3A_40 = vector.shape_cast %broadcast_in_dim3A_36 : vector<16xf32> to vector<16xf32>
    tpu.vector_store %arg5[%swap3A_37], %swap3A_40 {strides = array<i32>} : memref<128xf32, #tpu.memory_space<vmem>>, vector<16xf32>,
    %broadcast_in_dim3A_41 = arith.constant 1.000000e+00 : f32
    %broadcast_in_dim3A_42 = vector.broadcast %broadcast_in_dim3A_41 : f32 to vector<16xf32>
    %swap3A_43 = arith.constant 112 : index
    %swap3A_44 = tpu.vector_load %arg5[%swap3A_43] {strides = array<i32>} : memref<128xf32, #tpu.memory_space<vmem>>, vector<16xf32>,
    %swap3A_45 = vector.shape_cast %swap3A_44 : vector<16xf32> to vector<16xf32>
    %swap3A_46 = vector.shape_cast %broadcast_in_dim3A_42 : vector<16xf32> to vector<16xf32>
    tpu.vector_store %arg5[%swap3A_43], %swap3A_46 {strides = array<i32>} : memref<128xf32, #tpu.memory_space<vmem>>, vector<16xf32>,
    %mul3A_47 = arith.constant 640 : i32
    %mul3A_48 = arith.muli %arg1, %mul3A_47 : i32
    %add3A_49 = arith.constant 0 : i32
    %add3A_50 = arith.addi %mul3A_48, %add3A_49 : i32
    "tpu.region"() ({
      %run_scoped3A = tpu.sem_alloc : memref<!tpu.dma_semaphore, #tpu.memory_space<semaphore_mem>>
      %dma_start3A = tpu.memref_slice %arg6[%add3A_50] : memref<10240xf32, #tpu.memory_space<vmem_shared>> -> memref<128xf32, #tpu.memory_space<vmem_shared>>
      %dma_start3A_77 = tpu.memref_slice %arg6[%add3A_50] : memref<10240xf32, #tpu.memory_space<vmem_shared>> -> memref<128xf32, #tpu.memory_space<vmem_shared>>
      tpu.enqueue_dma source(%arg5 : memref<128xf32, #tpu.memory_space<vmem>>) target(%dma_start3A_77 : memref<128xf32, #tpu.memory_space<vmem_shared>>) target_semaphore(%run_scoped3A : memref<!tpu.dma_semaphore, #tpu.memory_space<semaphore_mem>>)
      %dma_wait3A = tpu.memref_slice %arg6[%add3A_50] : memref<10240xf32, #tpu.memory_space<vmem_shared>> -> memref<128xf32, #tpu.memory_space<vmem_shared>>
      %dma_wait3A_78 = tpu.memref_slice %arg6[%add3A_50] : memref<10240xf32, #tpu.memory_space<vmem_shared>> -> memref<128xf32, #tpu.memory_space<vmem_shared>>
      tpu.wait_dma2 semaphore(%run_scoped3A : memref<!tpu.dma_semaphore, #tpu.memory_space<semaphore_mem>>) src(%arg5 : memref<128xf32, #tpu.memory_space<vmem>>) dst(%dma_wait3A_78 : memref<128xf32, #tpu.memory_space<vmem_shared>>)
      tpu.yield
    }) : () -> ()
    %mul3A_51 = arith.constant 640 : i32
    %mul3A_52 = arith.muli %arg1, %mul3A_51 : i32
    %add3A_53 = arith.constant 128 : i32
    %add3A_54 = arith.addi %mul3A_52, %add3A_53 : i32
    "tpu.region"() ({
      %run_scoped3A = tpu.sem_alloc : memref<!tpu.dma_semaphore, #tpu.memory_space<semaphore_mem>>
      %dma_start3A = tpu.memref_slice %arg6[%add3A_54] : memref<10240xf32, #tpu.memory_space<vmem_shared>> -> memref<128xf32, #tpu.memory_space<vmem_shared>>
      %dma_start3A_77 = tpu.memref_slice %arg6[%add3A_54] : memref<10240xf32, #tpu.memory_space<vmem_shared>> -> memref<128xf32, #tpu.memory_space<vmem_shared>>
      tpu.enqueue_dma source(%arg5 : memref<128xf32, #tpu.memory_space<vmem>>) target(%dma_start3A_77 : memref<128xf32, #tpu.memory_space<vmem_shared>>) target_semaphore(%run_scoped3A : memref<!tpu.dma_semaphore, #tpu.memory_space<semaphore_mem>>)
      %dma_wait3A = tpu.memref_slice %arg6[%add3A_54] : memref<10240xf32, #tpu.memory_space<vmem_shared>> -> memref<128xf32, #tpu.memory_space<vmem_shared>>
      %dma_wait3A_78 = tpu.memref_slice %arg6[%add3A_54] : memref<10240xf32, #tpu.memory_space<vmem_shared>> -> memref<128xf32, #tpu.memory_space<vmem_shared>>
      tpu.wait_dma2 semaphore(%run_scoped3A : memref<!tpu.dma_semaphore, #tpu.memory_space<semaphore_mem>>) src(%arg5 : memref<128xf32, #tpu.memory_space<vmem>>) dst(%dma_wait3A_78 : memref<128xf32, #tpu.memory_space<vmem_shared>>)
      tpu.yield
    }) : () -> ()
    %mul3A_55 = arith.constant 640 : i32
    %mul3A_56 = arith.muli %arg1, %mul3A_55 : i32
    %add3A_57 = arith.constant 256 : i32
    %add3A_58 = arith.addi %mul3A_56, %add3A_57 : i32
    "tpu.region"() ({
      %run_scoped3A = tpu.sem_alloc : memref<!tpu.dma_semaphore, #tpu.memory_space<semaphore_mem>>
      %dma_start3A = tpu.memref_slice %arg6[%add3A_58] : memref<10240xf32, #tpu.memory_space<vmem_shared>> -> memref<128xf32, #tpu.memory_space<vmem_shared>>
      %dma_start3A_77 = tpu.memref_slice %arg6[%add3A_58] : memref<10240xf32, #tpu.memory_space<vmem_shared>> -> memref<128xf32, #tpu.memory_space<vmem_shared>>
      tpu.enqueue_dma source(%arg5 : memref<128xf32, #tpu.memory_space<vmem>>) target(%dma_start3A_77 : memref<128xf32, #tpu.memory_space<vmem_shared>>) target_semaphore(%run_scoped3A : memref<!tpu.dma_semaphore, #tpu.memory_space<semaphore_mem>>)
      %dma_wait3A = tpu.memref_slice %arg6[%add3A_58] : memref<10240xf32, #tpu.memory_space<vmem_shared>> -> memref<128xf32, #tpu.memory_space<vmem_shared>>
      %dma_wait3A_78 = tpu.memref_slice %arg6[%add3A_58] : memref<10240xf32, #tpu.memory_space<vmem_shared>> -> memref<128xf32, #tpu.memory_space<vmem_shared>>
      tpu.wait_dma2 semaphore(%run_scoped3A : memref<!tpu.dma_semaphore, #tpu.memory_space<semaphore_mem>>) src(%arg5 : memref<128xf32, #tpu.memory_space<vmem>>) dst(%dma_wait3A_78 : memref<128xf32, #tpu.memory_space<vmem_shared>>)
      tpu.yield
    }) : () -> ()
    %mul3A_59 = arith.constant 640 : i32
    %mul3A_60 = arith.muli %arg1, %mul3A_59 : i32
    %add3A_61 = arith.constant 384 : i32
    %add3A_62 = arith.addi %mul3A_60, %add3A_61 : i32
    "tpu.region"() ({
      %run_scoped3A = tpu.sem_alloc : memref<!tpu.dma_semaphore, #tpu.memory_space<semaphore_mem>>
      %dma_start3A = tpu.memref_slice %arg6[%add3A_62] : memref<10240xf32, #tpu.memory_space<vmem_shared>> -> memref<128xf32, #tpu.memory_space<vmem_shared>>
      %dma_start3A_77 = tpu.memref_slice %arg6[%add3A_62] : memref<10240xf32, #tpu.memory_space<vmem_shared>> -> memref<128xf32, #tpu.memory_space<vmem_shared>>
      tpu.enqueue_dma source(%arg5 : memref<128xf32, #tpu.memory_space<vmem>>) target(%dma_start3A_77 : memref<128xf32, #tpu.memory_space<vmem_shared>>) target_semaphore(%run_scoped3A : memref<!tpu.dma_semaphore, #tpu.memory_space<semaphore_mem>>)
      %dma_wait3A = tpu.memref_slice %arg6[%add3A_62] : memref<10240xf32, #tpu.memory_space<vmem_shared>> -> memref<128xf32, #tpu.memory_space<vmem_shared>>
      %dma_wait3A_78 = tpu.memref_slice %arg6[%add3A_62] : memref<10240xf32, #tpu.memory_space<vmem_shared>> -> memref<128xf32, #tpu.memory_space<vmem_shared>>
      tpu.wait_dma2 semaphore(%run_scoped3A : memref<!tpu.dma_semaphore, #tpu.memory_space<semaphore_mem>>) src(%arg5 : memref<128xf32, #tpu.memory_space<vmem>>) dst(%dma_wait3A_78 : memref<128xf32, #tpu.memory_space<vmem_shared>>)
      tpu.yield
    }) : () -> ()
    %mul3A_63 = arith.constant 640 : i32
    %mul3A_64 = arith.muli %arg1, %mul3A_63 : i32
    %add3A_65 = arith.constant 512 : i32
    %add3A_66 = arith.addi %mul3A_64, %add3A_65 : i32
    "tpu.region"() ({
      %run_scoped3A = tpu.sem_alloc : memref<!tpu.dma_semaphore, #tpu.memory_space<semaphore_mem>>
      %dma_start3A = tpu.memref_slice %arg6[%add3A_66] : memref<10240xf32, #tpu.memory_space<vmem_shared>> -> memref<128xf32, #tpu.memory_space<vmem_shared>>
      %dma_start3A_77 = tpu.memref_slice %arg6[%add3A_66] : memref<10240xf32, #tpu.memory_space<vmem_shared>> -> memref<128xf32, #tpu.memory_space<vmem_shared>>
      tpu.enqueue_dma source(%arg5 : memref<128xf32, #tpu.memory_space<vmem>>) target(%dma_start3A_77 : memref<128xf32, #tpu.memory_space<vmem_shared>>) target_semaphore(%run_scoped3A : memref<!tpu.dma_semaphore, #tpu.memory_space<semaphore_mem>>)
      %dma_wait3A = tpu.memref_slice %arg6[%add3A_66] : memref<10240xf32, #tpu.memory_space<vmem_shared>> -> memref<128xf32, #tpu.memory_space<vmem_shared>>
      %dma_wait3A_78 = tpu.memref_slice %arg6[%add3A_66] : memref<10240xf32, #tpu.memory_space<vmem_shared>> -> memref<128xf32, #tpu.memory_space<vmem_shared>>
      tpu.wait_dma2 semaphore(%run_scoped3A : memref<!tpu.dma_semaphore, #tpu.memory_space<semaphore_mem>>) src(%arg5 : memref<128xf32, #tpu.memory_space<vmem>>) dst(%dma_wait3A_78 : memref<128xf32, #tpu.memory_space<vmem_shared>>)
      tpu.yield
    }) : () -> ()
    "tpu.region"() ({
      %run_scoped3A = tpu.sem_alloc : memref<!tpu.dma_semaphore, #tpu.memory_space<semaphore_mem>>
      %dma_start3A = arith.constant 0 : i32
      %dma_start3A_77 = arith.constant 0 : i32
      %dma_start3A_78 = tpu.memref_slice %arg2[%add3A, %dma_start3A, %dma_start3A_77] : memref<32x79x128xi32, #tpu.memory_space<hbm>> -> memref<1x79x128xi32, #tpu.memory_space<hbm>>
      %dma_start3A_79 = tpu.memref_squeeze %dma_start3A_78 : memref<1x79x128xi32, #tpu.memory_space<hbm>> -> memref<79x128xi32, #tpu.memory_space<hbm>>
      %dma_start3A_80 = arith.constant 0 : i32
      %dma_start3A_81 = arith.constant 0 : i32
      %dma_start3A_82 = tpu.memref_slice %arg2[%add3A, %dma_start3A_80, %dma_start3A_81] : memref<32x79x128xi32, #tpu.memory_space<hbm>> -> memref<1x79x128xi32, #tpu.memory_space<hbm>>
      %dma_start3A_83 = tpu.memref_squeeze %dma_start3A_82 : memref<1x79x128xi32, #tpu.memory_space<hbm>> -> memref<79x128xi32, #tpu.memory_space<hbm>>
      tpu.enqueue_dma source(%dma_start3A_83 : memref<79x128xi32, #tpu.memory_space<hbm>>) target(%arg4 : memref<79x128xi32, #tpu.memory_space<vmem>>) target_semaphore(%run_scoped3A : memref<!tpu.dma_semaphore, #tpu.memory_space<semaphore_mem>>)
      %dma_wait3A = arith.constant 0 : i32
      %dma_wait3A_84 = arith.constant 0 : i32
      %dma_wait3A_85 = tpu.memref_slice %arg2[%add3A, %dma_wait3A, %dma_wait3A_84] : memref<32x79x128xi32, #tpu.memory_space<hbm>> -> memref<1x79x128xi32, #tpu.memory_space<hbm>>
      %dma_wait3A_86 = tpu.memref_squeeze %dma_wait3A_85 : memref<1x79x128xi32, #tpu.memory_space<hbm>> -> memref<79x128xi32, #tpu.memory_space<hbm>>
      %dma_wait3A_87 = arith.constant 0 : i32
      %dma_wait3A_88 = arith.constant 0 : i32
      %dma_wait3A_89 = tpu.memref_slice %arg2[%add3A, %dma_wait3A_87, %dma_wait3A_88] : memref<32x79x128xi32, #tpu.memory_space<hbm>> -> memref<1x79x128xi32, #tpu.memory_space<hbm>>
      %dma_wait3A_90 = tpu.memref_squeeze %dma_wait3A_89 : memref<1x79x128xi32, #tpu.memory_space<hbm>> -> memref<79x128xi32, #tpu.memory_space<hbm>>
      tpu.wait_dma2 semaphore(%run_scoped3A : memref<!tpu.dma_semaphore, #tpu.memory_space<semaphore_mem>>) src(%dma_wait3A_90 : memref<79x128xi32, #tpu.memory_space<hbm>>) dst(%arg4 : memref<79x128xi32, #tpu.memory_space<vmem>>)
      tpu.yield
    }) : () -> ()
    %barrier3A = arith.constant 0 : index
    tpu.barrier barrier_id(%barrier3A)
    %scan3A = arith.constant 0 : i32
    %scan3A_67 = arith.constant 0 : i32
    %scan3A_68 = arith.constant 79 : i32
    %scan3A_69 = arith.addi %scan3A_67, %scan3A_68 : i32
    %scan3A_70 = arith.constant 1 : i32
    scf.for %scan3A_77 = %scan3A_67 to %scan3A_69 step %scan3A_70  : i32 {
      "tpu.region"() ({
        %run_scoped3A = tpu.sem_alloc : memref<!tpu.dma_semaphore, #tpu.memory_space<semaphore_mem>>
        %dma_start3A = arith.constant 0 : i32
        %dma_start3A_78 = tpu.memref_slice %arg4[%scan3A_77, %dma_start3A] : memref<79x128xi32, #tpu.memory_space<vmem>> -> memref<1x128xi32, #tpu.memory_space<vmem>>
        %dma_start3A_79 = tpu.memref_squeeze %dma_start3A_78 : memref<1x128xi32, #tpu.memory_space<vmem>> -> memref<128xi32, #tpu.memory_space<vmem>>
        %dma_start3A_80 = arith.constant 0 : i32
        %dma_start3A_81 = tpu.memref_slice %arg6[%dma_start3A_80] : memref<10240xf32, #tpu.memory_space<vmem_shared>> -> memref<10240xf32, #tpu.memory_space<vmem_shared>>
        tpu.enqueue_indirect_dma source(%arg5 : memref<128xf32, #tpu.memory_space<vmem>>) target(%dma_start3A_81 : memref<10240xf32, #tpu.memory_space<vmem_shared>>) offsets(%dma_start3A_79 : memref<128xi32, #tpu.memory_space<vmem>>) semaphore(%run_scoped3A : memref<!tpu.dma_semaphore, #tpu.memory_space<semaphore_mem>>) {add = true}
        %dma_wait3A = arith.constant 0 : i32
        %dma_wait3A_82 = tpu.memref_slice %arg4[%scan3A_77, %dma_wait3A] : memref<79x128xi32, #tpu.memory_space<vmem>> -> memref<1x128xi32, #tpu.memory_space<vmem>>
        %dma_wait3A_83 = tpu.memref_squeeze %dma_wait3A_82 : memref<1x128xi32, #tpu.memory_space<vmem>> -> memref<128xi32, #tpu.memory_space<vmem>>
        %dma_wait3A_84 = arith.constant 0 : i32
        %dma_wait3A_85 = tpu.memref_slice %arg6[%dma_wait3A_84] : memref<10240xf32, #tpu.memory_space<vmem_shared>> -> memref<10240xf32, #tpu.memory_space<vmem_shared>>
        tpu.wait_indirect_dma semaphore(%run_scoped3A : memref<!tpu.dma_semaphore, #tpu.memory_space<semaphore_mem>>) src(%arg5 : memref<128xf32, #tpu.memory_space<vmem>>) dst(%dma_wait3A_85 : memref<10240xf32, #tpu.memory_space<vmem_shared>>)
        tpu.yield
      }) : () -> ()
    }
    %scan3A_71 = arith.constant 79 : i32
    %barrier3A_72 = arith.constant 0 : index
    tpu.barrier barrier_id(%barrier3A_72)
    %mul3A_73 = arith.constant 640 : i32
    %mul3A_74 = arith.muli %arg1, %mul3A_73 : i32
    %mul3A_75 = arith.constant 640 : i32
    %mul3A_76 = arith.muli %arg1, %mul3A_75 : i32
    "tpu.region"() ({
      %run_scoped3A = tpu.sem_alloc : memref<!tpu.dma_semaphore, #tpu.memory_space<semaphore_mem>>
      %dma_start3A = tpu.memref_slice %arg3[%arg0, %mul3A_76] : memref<2x10240xf32, #tpu.memory_space<hbm>> -> memref<1x640xf32, #tpu.memory_space<hbm>>
      %dma_start3A_77 = tpu.memref_squeeze %dma_start3A : memref<1x640xf32, #tpu.memory_space<hbm>> -> memref<640xf32, #tpu.memory_space<hbm>>
      %dma_start3A_78 = tpu.memref_slice %arg6[%mul3A_74] : memref<10240xf32, #tpu.memory_space<vmem_shared>> -> memref<640xf32, #tpu.memory_space<vmem_shared>>
      tpu.enqueue_dma source(%dma_start3A_78 : memref<640xf32, #tpu.memory_space<vmem_shared>>) target(%dma_start3A_77 : memref<640xf32, #tpu.memory_space<hbm>>) target_semaphore(%run_scoped3A : memref<!tpu.dma_semaphore, #tpu.memory_space<semaphore_mem>>)
      %dma_wait3A = tpu.memref_slice %arg3[%arg0, %mul3A_76] : memref<2x10240xf32, #tpu.memory_space<hbm>> -> memref<1x640xf32, #tpu.memory_space<hbm>>
      %dma_wait3A_79 = tpu.memref_squeeze %dma_wait3A : memref<1x640xf32, #tpu.memory_space<hbm>> -> memref<640xf32, #tpu.memory_space<hbm>>
      %dma_wait3A_80 = tpu.memref_slice %arg6[%mul3A_74] : memref<10240xf32, #tpu.memory_space<vmem_shared>> -> memref<640xf32, #tpu.memory_space<vmem_shared>>
      tpu.wait_dma2 semaphore(%run_scoped3A : memref<!tpu.dma_semaphore, #tpu.memory_space<semaphore_mem>>) src(%dma_wait3A_80 : memref<640xf32, #tpu.memory_space<vmem_shared>>) dst(%dma_wait3A_79 : memref<640xf32, #tpu.memory_space<hbm>>)
      tpu.yield
    }) : () -> ()
    return
  }
}

#map = affine_map<(d0, d1) -> (0, 0, 0)>
#map1 = affine_map<(d0, d1) -> (0, 0)>
module attributes {stable_mosaic.version = 14 : i64} {
  func.func @agg_kernel(%arg0: i32, %arg1: i32, %arg2: memref<32x79x128xi32, #tpu.memory_space<hbm>>, %arg3: memref<32x79x128xi32, #tpu.memory_space<hbm>>, %arg4: memref<10240x64xf32, #tpu.memory_space<hbm>>, %arg5: memref<2x10240x64xf32, #tpu.memory_space<hbm>>, %arg6: memref<79x128xi32, #tpu.memory_space<vmem>>, %arg7: memref<79x128xi32, #tpu.memory_space<vmem>>, %arg8: memref<128x64xf32, #tpu.memory_space<vmem>>, %arg9: memref<10240x64xf32, #tpu.memory_space<vmem_shared>>, %arg10: memref<!tpu.dma_semaphore, #tpu.memory_space<semaphore_mem>>) attributes {dimension_semantics = [#tpu.dimension_semantics<core_parallel>, #tpu.dimension_semantics<subcore_parallel>], iteration_bounds = array<i64: 2, 16>, scalar_prefetch = 0 : i64, scratch_operands = 5 : i64, tpu.core_type = #tpu.core_type<sc_vector_subcore>, window_params = [{transform_indices = #map}, {transform_indices = #map}, {transform_indices = #map1}, {transform_indices = #map}]} {
    %mul3A = arith.constant 16 : i32
    %mul3A_0 = arith.muli %arg0, %mul3A : i32
    %add3A = arith.addi %mul3A_0, %arg1 : i32
    %mul3A_1 = arith.constant 640 : i32
    %mul3A_2 = arith.muli %arg1, %mul3A_1 : i32
    %mul3A_3 = arith.constant 640 : i32
    %mul3A_4 = arith.muli %arg1, %mul3A_3 : i32
    "tpu.region"() ({
      %run_scoped3A = tpu.sem_alloc : memref<!tpu.dma_semaphore, #tpu.memory_space<semaphore_mem>>
      %dma_start3A = arith.constant 0 : i32
      %dma_start3A_15 = tpu.memref_slice %arg9[%mul3A_4, %dma_start3A] : memref<10240x64xf32, #tpu.memory_space<vmem_shared>> -> memref<640x64xf32, #tpu.memory_space<vmem_shared>>
      %dma_start3A_16 = arith.constant 0 : i32
      %dma_start3A_17 = tpu.memref_slice %arg4[%mul3A_2, %dma_start3A_16] : memref<10240x64xf32, #tpu.memory_space<hbm>> -> memref<640x64xf32, #tpu.memory_space<hbm>>
      tpu.enqueue_dma source(%dma_start3A_17 : memref<640x64xf32, #tpu.memory_space<hbm>>) target(%dma_start3A_15 : memref<640x64xf32, #tpu.memory_space<vmem_shared>>) target_semaphore(%run_scoped3A : memref<!tpu.dma_semaphore, #tpu.memory_space<semaphore_mem>>)
      %dma_wait3A = arith.constant 0 : i32
      %dma_wait3A_18 = tpu.memref_slice %arg9[%mul3A_4, %dma_wait3A] : memref<10240x64xf32, #tpu.memory_space<vmem_shared>> -> memref<640x64xf32, #tpu.memory_space<vmem_shared>>
      %dma_wait3A_19 = arith.constant 0 : i32
      %dma_wait3A_20 = tpu.memref_slice %arg4[%mul3A_2, %dma_wait3A_19] : memref<10240x64xf32, #tpu.memory_space<hbm>> -> memref<640x64xf32, #tpu.memory_space<hbm>>
      tpu.wait_dma2 semaphore(%run_scoped3A : memref<!tpu.dma_semaphore, #tpu.memory_space<semaphore_mem>>) src(%dma_wait3A_20 : memref<640x64xf32, #tpu.memory_space<hbm>>) dst(%dma_wait3A_18 : memref<640x64xf32, #tpu.memory_space<vmem_shared>>)
      tpu.yield
    }) : () -> ()
    "tpu.region"() ({
      %run_scoped3A = tpu.sem_alloc : memref<!tpu.dma_semaphore, #tpu.memory_space<semaphore_mem>>
      %dma_start3A = arith.constant 0 : i32
      %dma_start3A_15 = arith.constant 0 : i32
      %dma_start3A_16 = tpu.memref_slice %arg2[%add3A, %dma_start3A, %dma_start3A_15] : memref<32x79x128xi32, #tpu.memory_space<hbm>> -> memref<1x79x128xi32, #tpu.memory_space<hbm>>
      %dma_start3A_17 = tpu.memref_squeeze %dma_start3A_16 : memref<1x79x128xi32, #tpu.memory_space<hbm>> -> memref<79x128xi32, #tpu.memory_space<hbm>>
      %dma_start3A_18 = arith.constant 0 : i32
      %dma_start3A_19 = arith.constant 0 : i32
      %dma_start3A_20 = tpu.memref_slice %arg2[%add3A, %dma_start3A_18, %dma_start3A_19] : memref<32x79x128xi32, #tpu.memory_space<hbm>> -> memref<1x79x128xi32, #tpu.memory_space<hbm>>
      %dma_start3A_21 = tpu.memref_squeeze %dma_start3A_20 : memref<1x79x128xi32, #tpu.memory_space<hbm>> -> memref<79x128xi32, #tpu.memory_space<hbm>>
      tpu.enqueue_dma source(%dma_start3A_21 : memref<79x128xi32, #tpu.memory_space<hbm>>) target(%arg6 : memref<79x128xi32, #tpu.memory_space<vmem>>) target_semaphore(%run_scoped3A : memref<!tpu.dma_semaphore, #tpu.memory_space<semaphore_mem>>)
      %dma_wait3A = arith.constant 0 : i32
      %dma_wait3A_22 = arith.constant 0 : i32
      %dma_wait3A_23 = tpu.memref_slice %arg2[%add3A, %dma_wait3A, %dma_wait3A_22] : memref<32x79x128xi32, #tpu.memory_space<hbm>> -> memref<1x79x128xi32, #tpu.memory_space<hbm>>
      %dma_wait3A_24 = tpu.memref_squeeze %dma_wait3A_23 : memref<1x79x128xi32, #tpu.memory_space<hbm>> -> memref<79x128xi32, #tpu.memory_space<hbm>>
      %dma_wait3A_25 = arith.constant 0 : i32
      %dma_wait3A_26 = arith.constant 0 : i32
      %dma_wait3A_27 = tpu.memref_slice %arg2[%add3A, %dma_wait3A_25, %dma_wait3A_26] : memref<32x79x128xi32, #tpu.memory_space<hbm>> -> memref<1x79x128xi32, #tpu.memory_space<hbm>>
      %dma_wait3A_28 = tpu.memref_squeeze %dma_wait3A_27 : memref<1x79x128xi32, #tpu.memory_space<hbm>> -> memref<79x128xi32, #tpu.memory_space<hbm>>
      tpu.wait_dma2 semaphore(%run_scoped3A : memref<!tpu.dma_semaphore, #tpu.memory_space<semaphore_mem>>) src(%dma_wait3A_28 : memref<79x128xi32, #tpu.memory_space<hbm>>) dst(%arg6 : memref<79x128xi32, #tpu.memory_space<vmem>>)
      tpu.yield
    }) : () -> ()
    "tpu.region"() ({
      %run_scoped3A = tpu.sem_alloc : memref<!tpu.dma_semaphore, #tpu.memory_space<semaphore_mem>>
      %dma_start3A = arith.constant 0 : i32
      %dma_start3A_15 = arith.constant 0 : i32
      %dma_start3A_16 = tpu.memref_slice %arg3[%add3A, %dma_start3A, %dma_start3A_15] : memref<32x79x128xi32, #tpu.memory_space<hbm>> -> memref<1x79x128xi32, #tpu.memory_space<hbm>>
      %dma_start3A_17 = tpu.memref_squeeze %dma_start3A_16 : memref<1x79x128xi32, #tpu.memory_space<hbm>> -> memref<79x128xi32, #tpu.memory_space<hbm>>
      %dma_start3A_18 = arith.constant 0 : i32
      %dma_start3A_19 = arith.constant 0 : i32
      %dma_start3A_20 = tpu.memref_slice %arg3[%add3A, %dma_start3A_18, %dma_start3A_19] : memref<32x79x128xi32, #tpu.memory_space<hbm>> -> memref<1x79x128xi32, #tpu.memory_space<hbm>>
      %dma_start3A_21 = tpu.memref_squeeze %dma_start3A_20 : memref<1x79x128xi32, #tpu.memory_space<hbm>> -> memref<79x128xi32, #tpu.memory_space<hbm>>
      tpu.enqueue_dma source(%dma_start3A_21 : memref<79x128xi32, #tpu.memory_space<hbm>>) target(%arg7 : memref<79x128xi32, #tpu.memory_space<vmem>>) target_semaphore(%run_scoped3A : memref<!tpu.dma_semaphore, #tpu.memory_space<semaphore_mem>>)
      %dma_wait3A = arith.constant 0 : i32
      %dma_wait3A_22 = arith.constant 0 : i32
      %dma_wait3A_23 = tpu.memref_slice %arg3[%add3A, %dma_wait3A, %dma_wait3A_22] : memref<32x79x128xi32, #tpu.memory_space<hbm>> -> memref<1x79x128xi32, #tpu.memory_space<hbm>>
      %dma_wait3A_24 = tpu.memref_squeeze %dma_wait3A_23 : memref<1x79x128xi32, #tpu.memory_space<hbm>> -> memref<79x128xi32, #tpu.memory_space<hbm>>
      %dma_wait3A_25 = arith.constant 0 : i32
      %dma_wait3A_26 = arith.constant 0 : i32
      %dma_wait3A_27 = tpu.memref_slice %arg3[%add3A, %dma_wait3A_25, %dma_wait3A_26] : memref<32x79x128xi32, #tpu.memory_space<hbm>> -> memref<1x79x128xi32, #tpu.memory_space<hbm>>
      %dma_wait3A_28 = tpu.memref_squeeze %dma_wait3A_27 : memref<1x79x128xi32, #tpu.memory_space<hbm>> -> memref<79x128xi32, #tpu.memory_space<hbm>>
      tpu.wait_dma2 semaphore(%run_scoped3A : memref<!tpu.dma_semaphore, #tpu.memory_space<semaphore_mem>>) src(%dma_wait3A_28 : memref<79x128xi32, #tpu.memory_space<hbm>>) dst(%arg7 : memref<79x128xi32, #tpu.memory_space<vmem>>)
      tpu.yield
    }) : () -> ()
    %barrier3A = arith.constant 0 : index
    tpu.barrier barrier_id(%barrier3A)
    %scan3A = arith.constant 0 : i32
    %scan3A_5 = arith.constant 0 : i32
    %scan3A_6 = arith.constant 79 : i32
    %scan3A_7 = arith.addi %scan3A_5, %scan3A_6 : i32
    %scan3A_8 = arith.constant 1 : i32
    scf.for %scan3A_15 = %scan3A_5 to %scan3A_7 step %scan3A_8  : i32 {
      %dma_start3A = arith.constant 0 : i32
      %dma_start3A_16 = tpu.memref_slice %arg6[%scan3A_15, %dma_start3A] : memref<79x128xi32, #tpu.memory_space<vmem>> -> memref<1x128xi32, #tpu.memory_space<vmem>>
      %dma_start3A_17 = tpu.memref_squeeze %dma_start3A_16 : memref<1x128xi32, #tpu.memory_space<vmem>> -> memref<128xi32, #tpu.memory_space<vmem>>
      %dma_start3A_18 = arith.constant 0 : i32
      %dma_start3A_19 = arith.constant 0 : i32
      %dma_start3A_20 = tpu.memref_slice %arg4[%dma_start3A_18, %dma_start3A_19] : memref<10240x64xf32, #tpu.memory_space<hbm>> -> memref<10240x64xf32, #tpu.memory_space<hbm>>
      tpu.enqueue_indirect_dma source(%dma_start3A_20 : memref<10240x64xf32, #tpu.memory_space<hbm>>) target(%arg8 : memref<128x64xf32, #tpu.memory_space<vmem>>) offsets(%dma_start3A_17 : memref<128xi32, #tpu.memory_space<vmem>>) semaphore(%arg10 : memref<!tpu.dma_semaphore, #tpu.memory_space<semaphore_mem>>)
      %dma_wait3A = arith.constant 0 : i32
      %dma_wait3A_21 = tpu.memref_slice %arg6[%scan3A_15, %dma_wait3A] : memref<79x128xi32, #tpu.memory_space<vmem>> -> memref<1x128xi32, #tpu.memory_space<vmem>>
      %dma_wait3A_22 = tpu.memref_squeeze %dma_wait3A_21 : memref<1x128xi32, #tpu.memory_space<vmem>> -> memref<128xi32, #tpu.memory_space<vmem>>
      %dma_wait3A_23 = arith.constant 0 : i32
      %dma_wait3A_24 = arith.constant 0 : i32
      %dma_wait3A_25 = tpu.memref_slice %arg4[%dma_wait3A_23, %dma_wait3A_24] : memref<10240x64xf32, #tpu.memory_space<hbm>> -> memref<10240x64xf32, #tpu.memory_space<hbm>>
      tpu.wait_indirect_dma semaphore(%arg10 : memref<!tpu.dma_semaphore, #tpu.memory_space<semaphore_mem>>) src(%dma_wait3A_25 : memref<10240x64xf32, #tpu.memory_space<hbm>>) dst(%arg8 : memref<128x64xf32, #tpu.memory_space<vmem>>)
      "tpu.region"() ({
        %run_scoped3A = tpu.sem_alloc : memref<!tpu.dma_semaphore, #tpu.memory_space<semaphore_mem>>
        %dma_start3A_26 = arith.constant 0 : i32
        %dma_start3A_27 = tpu.memref_slice %arg7[%scan3A_15, %dma_start3A_26] : memref<79x128xi32, #tpu.memory_space<vmem>> -> memref<1x128xi32, #tpu.memory_space<vmem>>
        %dma_start3A_28 = tpu.memref_squeeze %dma_start3A_27 : memref<1x128xi32, #tpu.memory_space<vmem>> -> memref<128xi32, #tpu.memory_space<vmem>>
        %dma_start3A_29 = arith.constant 0 : i32
        %dma_start3A_30 = arith.constant 0 : i32
        %dma_start3A_31 = tpu.memref_slice %arg9[%dma_start3A_29, %dma_start3A_30] : memref<10240x64xf32, #tpu.memory_space<vmem_shared>> -> memref<10240x64xf32, #tpu.memory_space<vmem_shared>>
        tpu.enqueue_indirect_dma source(%arg8 : memref<128x64xf32, #tpu.memory_space<vmem>>) target(%dma_start3A_31 : memref<10240x64xf32, #tpu.memory_space<vmem_shared>>) offsets(%dma_start3A_28 : memref<128xi32, #tpu.memory_space<vmem>>) semaphore(%run_scoped3A : memref<!tpu.dma_semaphore, #tpu.memory_space<semaphore_mem>>) {add = true}
        %dma_wait3A_32 = arith.constant 0 : i32
        %dma_wait3A_33 = tpu.memref_slice %arg7[%scan3A_15, %dma_wait3A_32] : memref<79x128xi32, #tpu.memory_space<vmem>> -> memref<1x128xi32, #tpu.memory_space<vmem>>
        %dma_wait3A_34 = tpu.memref_squeeze %dma_wait3A_33 : memref<1x128xi32, #tpu.memory_space<vmem>> -> memref<128xi32, #tpu.memory_space<vmem>>
        %dma_wait3A_35 = arith.constant 0 : i32
        %dma_wait3A_36 = arith.constant 0 : i32
        %dma_wait3A_37 = tpu.memref_slice %arg9[%dma_wait3A_35, %dma_wait3A_36] : memref<10240x64xf32, #tpu.memory_space<vmem_shared>> -> memref<10240x64xf32, #tpu.memory_space<vmem_shared>>
        tpu.wait_indirect_dma semaphore(%run_scoped3A : memref<!tpu.dma_semaphore, #tpu.memory_space<semaphore_mem>>) src(%arg8 : memref<128x64xf32, #tpu.memory_space<vmem>>) dst(%dma_wait3A_37 : memref<10240x64xf32, #tpu.memory_space<vmem_shared>>)
        tpu.yield
      }) : () -> ()
    }
    %scan3A_9 = arith.constant 79 : i32
    %barrier3A_10 = arith.constant 0 : index
    tpu.barrier barrier_id(%barrier3A_10)
    %mul3A_11 = arith.constant 640 : i32
    %mul3A_12 = arith.muli %arg1, %mul3A_11 : i32
    %mul3A_13 = arith.constant 640 : i32
    %mul3A_14 = arith.muli %arg1, %mul3A_13 : i32
    "tpu.region"() ({
      %run_scoped3A = tpu.sem_alloc : memref<!tpu.dma_semaphore, #tpu.memory_space<semaphore_mem>>
      %dma_start3A = arith.constant 0 : i32
      %dma_start3A_15 = tpu.memref_slice %arg5[%arg0, %mul3A_14, %dma_start3A] : memref<2x10240x64xf32, #tpu.memory_space<hbm>> -> memref<1x640x64xf32, #tpu.memory_space<hbm>>
      %dma_start3A_16 = tpu.memref_squeeze %dma_start3A_15 : memref<1x640x64xf32, #tpu.memory_space<hbm>> -> memref<640x64xf32, #tpu.memory_space<hbm>>
      %dma_start3A_17 = arith.constant 0 : i32
      %dma_start3A_18 = tpu.memref_slice %arg9[%mul3A_12, %dma_start3A_17] : memref<10240x64xf32, #tpu.memory_space<vmem_shared>> -> memref<640x64xf32, #tpu.memory_space<vmem_shared>>
      tpu.enqueue_dma source(%dma_start3A_18 : memref<640x64xf32, #tpu.memory_space<vmem_shared>>) target(%dma_start3A_16 : memref<640x64xf32, #tpu.memory_space<hbm>>) target_semaphore(%run_scoped3A : memref<!tpu.dma_semaphore, #tpu.memory_space<semaphore_mem>>)
      %dma_wait3A = arith.constant 0 : i32
      %dma_wait3A_19 = tpu.memref_slice %arg5[%arg0, %mul3A_14, %dma_wait3A] : memref<2x10240x64xf32, #tpu.memory_space<hbm>> -> memref<1x640x64xf32, #tpu.memory_space<hbm>>
      %dma_wait3A_20 = tpu.memref_squeeze %dma_wait3A_19 : memref<1x640x64xf32, #tpu.memory_space<hbm>> -> memref<640x64xf32, #tpu.memory_space<hbm>>
      %dma_wait3A_21 = arith.constant 0 : i32
      %dma_wait3A_22 = tpu.memref_slice %arg9[%mul3A_12, %dma_wait3A_21] : memref<10240x64xf32, #tpu.memory_space<vmem_shared>> -> memref<640x64xf32, #tpu.memory_space<vmem_shared>>
      tpu.wait_dma2 semaphore(%run_scoped3A : memref<!tpu.dma_semaphore, #tpu.memory_space<semaphore_mem>>) src(%dma_wait3A_22 : memref<640x64xf32, #tpu.memory_space<vmem_shared>>) dst(%dma_wait3A_20 : memref<640x64xf32, #tpu.memory_space<hbm>>)
      tpu.yield
    }) : () -> ()
    return
  }
}

#map = affine_map<(d0, d1) -> (0, 0, 0)>
#map1 = affine_map<(d0, d1) -> (0, 0)>
module attributes {stable_mosaic.version = 14 : i64} {
  func.func @agg_kernel(%arg0: i32, %arg1: i32, %arg2: memref<32x79x128xi32, #tpu.memory_space<hbm>>, %arg3: memref<32x79x128xi32, #tpu.memory_space<hbm>>, %arg4: memref<10240x32xf32, #tpu.memory_space<hbm>>, %arg5: memref<2x10240x32xf32, #tpu.memory_space<hbm>>, %arg6: memref<79x128xi32, #tpu.memory_space<vmem>>, %arg7: memref<79x128xi32, #tpu.memory_space<vmem>>, %arg8: memref<128x32xf32, #tpu.memory_space<vmem>>, %arg9: memref<10240x32xf32, #tpu.memory_space<vmem_shared>>, %arg10: memref<!tpu.dma_semaphore, #tpu.memory_space<semaphore_mem>>) attributes {dimension_semantics = [#tpu.dimension_semantics<core_parallel>, #tpu.dimension_semantics<subcore_parallel>], iteration_bounds = array<i64: 2, 16>, scalar_prefetch = 0 : i64, scratch_operands = 5 : i64, tpu.core_type = #tpu.core_type<sc_vector_subcore>, window_params = [{transform_indices = #map}, {transform_indices = #map}, {transform_indices = #map1}, {transform_indices = #map}]} {
    %mul3A = arith.constant 16 : i32
    %mul3A_0 = arith.muli %arg0, %mul3A : i32
    %add3A = arith.addi %mul3A_0, %arg1 : i32
    %mul3A_1 = arith.constant 640 : i32
    %mul3A_2 = arith.muli %arg1, %mul3A_1 : i32
    %mul3A_3 = arith.constant 640 : i32
    %mul3A_4 = arith.muli %arg1, %mul3A_3 : i32
    "tpu.region"() ({
      %run_scoped3A = tpu.sem_alloc : memref<!tpu.dma_semaphore, #tpu.memory_space<semaphore_mem>>
      %dma_start3A = arith.constant 0 : i32
      %dma_start3A_15 = tpu.memref_slice %arg9[%mul3A_4, %dma_start3A] : memref<10240x32xf32, #tpu.memory_space<vmem_shared>> -> memref<640x32xf32, #tpu.memory_space<vmem_shared>>
      %dma_start3A_16 = arith.constant 0 : i32
      %dma_start3A_17 = tpu.memref_slice %arg4[%mul3A_2, %dma_start3A_16] : memref<10240x32xf32, #tpu.memory_space<hbm>> -> memref<640x32xf32, #tpu.memory_space<hbm>>
      tpu.enqueue_dma source(%dma_start3A_17 : memref<640x32xf32, #tpu.memory_space<hbm>>) target(%dma_start3A_15 : memref<640x32xf32, #tpu.memory_space<vmem_shared>>) target_semaphore(%run_scoped3A : memref<!tpu.dma_semaphore, #tpu.memory_space<semaphore_mem>>)
      %dma_wait3A = arith.constant 0 : i32
      %dma_wait3A_18 = tpu.memref_slice %arg9[%mul3A_4, %dma_wait3A] : memref<10240x32xf32, #tpu.memory_space<vmem_shared>> -> memref<640x32xf32, #tpu.memory_space<vmem_shared>>
      %dma_wait3A_19 = arith.constant 0 : i32
      %dma_wait3A_20 = tpu.memref_slice %arg4[%mul3A_2, %dma_wait3A_19] : memref<10240x32xf32, #tpu.memory_space<hbm>> -> memref<640x32xf32, #tpu.memory_space<hbm>>
      tpu.wait_dma2 semaphore(%run_scoped3A : memref<!tpu.dma_semaphore, #tpu.memory_space<semaphore_mem>>) src(%dma_wait3A_20 : memref<640x32xf32, #tpu.memory_space<hbm>>) dst(%dma_wait3A_18 : memref<640x32xf32, #tpu.memory_space<vmem_shared>>)
      tpu.yield
    }) : () -> ()
    "tpu.region"() ({
      %run_scoped3A = tpu.sem_alloc : memref<!tpu.dma_semaphore, #tpu.memory_space<semaphore_mem>>
      %dma_start3A = arith.constant 0 : i32
      %dma_start3A_15 = arith.constant 0 : i32
      %dma_start3A_16 = tpu.memref_slice %arg2[%add3A, %dma_start3A, %dma_start3A_15] : memref<32x79x128xi32, #tpu.memory_space<hbm>> -> memref<1x79x128xi32, #tpu.memory_space<hbm>>
      %dma_start3A_17 = tpu.memref_squeeze %dma_start3A_16 : memref<1x79x128xi32, #tpu.memory_space<hbm>> -> memref<79x128xi32, #tpu.memory_space<hbm>>
      %dma_start3A_18 = arith.constant 0 : i32
      %dma_start3A_19 = arith.constant 0 : i32
      %dma_start3A_20 = tpu.memref_slice %arg2[%add3A, %dma_start3A_18, %dma_start3A_19] : memref<32x79x128xi32, #tpu.memory_space<hbm>> -> memref<1x79x128xi32, #tpu.memory_space<hbm>>
      %dma_start3A_21 = tpu.memref_squeeze %dma_start3A_20 : memref<1x79x128xi32, #tpu.memory_space<hbm>> -> memref<79x128xi32, #tpu.memory_space<hbm>>
      tpu.enqueue_dma source(%dma_start3A_21 : memref<79x128xi32, #tpu.memory_space<hbm>>) target(%arg6 : memref<79x128xi32, #tpu.memory_space<vmem>>) target_semaphore(%run_scoped3A : memref<!tpu.dma_semaphore, #tpu.memory_space<semaphore_mem>>)
      %dma_wait3A = arith.constant 0 : i32
      %dma_wait3A_22 = arith.constant 0 : i32
      %dma_wait3A_23 = tpu.memref_slice %arg2[%add3A, %dma_wait3A, %dma_wait3A_22] : memref<32x79x128xi32, #tpu.memory_space<hbm>> -> memref<1x79x128xi32, #tpu.memory_space<hbm>>
      %dma_wait3A_24 = tpu.memref_squeeze %dma_wait3A_23 : memref<1x79x128xi32, #tpu.memory_space<hbm>> -> memref<79x128xi32, #tpu.memory_space<hbm>>
      %dma_wait3A_25 = arith.constant 0 : i32
      %dma_wait3A_26 = arith.constant 0 : i32
      %dma_wait3A_27 = tpu.memref_slice %arg2[%add3A, %dma_wait3A_25, %dma_wait3A_26] : memref<32x79x128xi32, #tpu.memory_space<hbm>> -> memref<1x79x128xi32, #tpu.memory_space<hbm>>
      %dma_wait3A_28 = tpu.memref_squeeze %dma_wait3A_27 : memref<1x79x128xi32, #tpu.memory_space<hbm>> -> memref<79x128xi32, #tpu.memory_space<hbm>>
      tpu.wait_dma2 semaphore(%run_scoped3A : memref<!tpu.dma_semaphore, #tpu.memory_space<semaphore_mem>>) src(%dma_wait3A_28 : memref<79x128xi32, #tpu.memory_space<hbm>>) dst(%arg6 : memref<79x128xi32, #tpu.memory_space<vmem>>)
      tpu.yield
    }) : () -> ()
    "tpu.region"() ({
      %run_scoped3A = tpu.sem_alloc : memref<!tpu.dma_semaphore, #tpu.memory_space<semaphore_mem>>
      %dma_start3A = arith.constant 0 : i32
      %dma_start3A_15 = arith.constant 0 : i32
      %dma_start3A_16 = tpu.memref_slice %arg3[%add3A, %dma_start3A, %dma_start3A_15] : memref<32x79x128xi32, #tpu.memory_space<hbm>> -> memref<1x79x128xi32, #tpu.memory_space<hbm>>
      %dma_start3A_17 = tpu.memref_squeeze %dma_start3A_16 : memref<1x79x128xi32, #tpu.memory_space<hbm>> -> memref<79x128xi32, #tpu.memory_space<hbm>>
      %dma_start3A_18 = arith.constant 0 : i32
      %dma_start3A_19 = arith.constant 0 : i32
      %dma_start3A_20 = tpu.memref_slice %arg3[%add3A, %dma_start3A_18, %dma_start3A_19] : memref<32x79x128xi32, #tpu.memory_space<hbm>> -> memref<1x79x128xi32, #tpu.memory_space<hbm>>
      %dma_start3A_21 = tpu.memref_squeeze %dma_start3A_20 : memref<1x79x128xi32, #tpu.memory_space<hbm>> -> memref<79x128xi32, #tpu.memory_space<hbm>>
      tpu.enqueue_dma source(%dma_start3A_21 : memref<79x128xi32, #tpu.memory_space<hbm>>) target(%arg7 : memref<79x128xi32, #tpu.memory_space<vmem>>) target_semaphore(%run_scoped3A : memref<!tpu.dma_semaphore, #tpu.memory_space<semaphore_mem>>)
      %dma_wait3A = arith.constant 0 : i32
      %dma_wait3A_22 = arith.constant 0 : i32
      %dma_wait3A_23 = tpu.memref_slice %arg3[%add3A, %dma_wait3A, %dma_wait3A_22] : memref<32x79x128xi32, #tpu.memory_space<hbm>> -> memref<1x79x128xi32, #tpu.memory_space<hbm>>
      %dma_wait3A_24 = tpu.memref_squeeze %dma_wait3A_23 : memref<1x79x128xi32, #tpu.memory_space<hbm>> -> memref<79x128xi32, #tpu.memory_space<hbm>>
      %dma_wait3A_25 = arith.constant 0 : i32
      %dma_wait3A_26 = arith.constant 0 : i32
      %dma_wait3A_27 = tpu.memref_slice %arg3[%add3A, %dma_wait3A_25, %dma_wait3A_26] : memref<32x79x128xi32, #tpu.memory_space<hbm>> -> memref<1x79x128xi32, #tpu.memory_space<hbm>>
      %dma_wait3A_28 = tpu.memref_squeeze %dma_wait3A_27 : memref<1x79x128xi32, #tpu.memory_space<hbm>> -> memref<79x128xi32, #tpu.memory_space<hbm>>
      tpu.wait_dma2 semaphore(%run_scoped3A : memref<!tpu.dma_semaphore, #tpu.memory_space<semaphore_mem>>) src(%dma_wait3A_28 : memref<79x128xi32, #tpu.memory_space<hbm>>) dst(%arg7 : memref<79x128xi32, #tpu.memory_space<vmem>>)
      tpu.yield
    }) : () -> ()
    %barrier3A = arith.constant 0 : index
    tpu.barrier barrier_id(%barrier3A)
    %scan3A = arith.constant 0 : i32
    %scan3A_5 = arith.constant 0 : i32
    %scan3A_6 = arith.constant 79 : i32
    %scan3A_7 = arith.addi %scan3A_5, %scan3A_6 : i32
    %scan3A_8 = arith.constant 1 : i32
    scf.for %scan3A_15 = %scan3A_5 to %scan3A_7 step %scan3A_8  : i32 {
      %dma_start3A = arith.constant 0 : i32
      %dma_start3A_16 = tpu.memref_slice %arg6[%scan3A_15, %dma_start3A] : memref<79x128xi32, #tpu.memory_space<vmem>> -> memref<1x128xi32, #tpu.memory_space<vmem>>
      %dma_start3A_17 = tpu.memref_squeeze %dma_start3A_16 : memref<1x128xi32, #tpu.memory_space<vmem>> -> memref<128xi32, #tpu.memory_space<vmem>>
      %dma_start3A_18 = arith.constant 0 : i32
      %dma_start3A_19 = arith.constant 0 : i32
      %dma_start3A_20 = tpu.memref_slice %arg4[%dma_start3A_18, %dma_start3A_19] : memref<10240x32xf32, #tpu.memory_space<hbm>> -> memref<10240x32xf32, #tpu.memory_space<hbm>>
      tpu.enqueue_indirect_dma source(%dma_start3A_20 : memref<10240x32xf32, #tpu.memory_space<hbm>>) target(%arg8 : memref<128x32xf32, #tpu.memory_space<vmem>>) offsets(%dma_start3A_17 : memref<128xi32, #tpu.memory_space<vmem>>) semaphore(%arg10 : memref<!tpu.dma_semaphore, #tpu.memory_space<semaphore_mem>>)
      %dma_wait3A = arith.constant 0 : i32
      %dma_wait3A_21 = tpu.memref_slice %arg6[%scan3A_15, %dma_wait3A] : memref<79x128xi32, #tpu.memory_space<vmem>> -> memref<1x128xi32, #tpu.memory_space<vmem>>
      %dma_wait3A_22 = tpu.memref_squeeze %dma_wait3A_21 : memref<1x128xi32, #tpu.memory_space<vmem>> -> memref<128xi32, #tpu.memory_space<vmem>>
      %dma_wait3A_23 = arith.constant 0 : i32
      %dma_wait3A_24 = arith.constant 0 : i32
      %dma_wait3A_25 = tpu.memref_slice %arg4[%dma_wait3A_23, %dma_wait3A_24] : memref<10240x32xf32, #tpu.memory_space<hbm>> -> memref<10240x32xf32, #tpu.memory_space<hbm>>
      tpu.wait_indirect_dma semaphore(%arg10 : memref<!tpu.dma_semaphore, #tpu.memory_space<semaphore_mem>>) src(%dma_wait3A_25 : memref<10240x32xf32, #tpu.memory_space<hbm>>) dst(%arg8 : memref<128x32xf32, #tpu.memory_space<vmem>>)
      "tpu.region"() ({
        %run_scoped3A = tpu.sem_alloc : memref<!tpu.dma_semaphore, #tpu.memory_space<semaphore_mem>>
        %dma_start3A_26 = arith.constant 0 : i32
        %dma_start3A_27 = tpu.memref_slice %arg7[%scan3A_15, %dma_start3A_26] : memref<79x128xi32, #tpu.memory_space<vmem>> -> memref<1x128xi32, #tpu.memory_space<vmem>>
        %dma_start3A_28 = tpu.memref_squeeze %dma_start3A_27 : memref<1x128xi32, #tpu.memory_space<vmem>> -> memref<128xi32, #tpu.memory_space<vmem>>
        %dma_start3A_29 = arith.constant 0 : i32
        %dma_start3A_30 = arith.constant 0 : i32
        %dma_start3A_31 = tpu.memref_slice %arg9[%dma_start3A_29, %dma_start3A_30] : memref<10240x32xf32, #tpu.memory_space<vmem_shared>> -> memref<10240x32xf32, #tpu.memory_space<vmem_shared>>
        tpu.enqueue_indirect_dma source(%arg8 : memref<128x32xf32, #tpu.memory_space<vmem>>) target(%dma_start3A_31 : memref<10240x32xf32, #tpu.memory_space<vmem_shared>>) offsets(%dma_start3A_28 : memref<128xi32, #tpu.memory_space<vmem>>) semaphore(%run_scoped3A : memref<!tpu.dma_semaphore, #tpu.memory_space<semaphore_mem>>) {add = true}
        %dma_wait3A_32 = arith.constant 0 : i32
        %dma_wait3A_33 = tpu.memref_slice %arg7[%scan3A_15, %dma_wait3A_32] : memref<79x128xi32, #tpu.memory_space<vmem>> -> memref<1x128xi32, #tpu.memory_space<vmem>>
        %dma_wait3A_34 = tpu.memref_squeeze %dma_wait3A_33 : memref<1x128xi32, #tpu.memory_space<vmem>> -> memref<128xi32, #tpu.memory_space<vmem>>
        %dma_wait3A_35 = arith.constant 0 : i32
        %dma_wait3A_36 = arith.constant 0 : i32
        %dma_wait3A_37 = tpu.memref_slice %arg9[%dma_wait3A_35, %dma_wait3A_36] : memref<10240x32xf32, #tpu.memory_space<vmem_shared>> -> memref<10240x32xf32, #tpu.memory_space<vmem_shared>>
        tpu.wait_indirect_dma semaphore(%run_scoped3A : memref<!tpu.dma_semaphore, #tpu.memory_space<semaphore_mem>>) src(%arg8 : memref<128x32xf32, #tpu.memory_space<vmem>>) dst(%dma_wait3A_37 : memref<10240x32xf32, #tpu.memory_space<vmem_shared>>)
        tpu.yield
      }) : () -> ()
    }
    %scan3A_9 = arith.constant 79 : i32
    %barrier3A_10 = arith.constant 0 : index
    tpu.barrier barrier_id(%barrier3A_10)
    %mul3A_11 = arith.constant 640 : i32
    %mul3A_12 = arith.muli %arg1, %mul3A_11 : i32
    %mul3A_13 = arith.constant 640 : i32
    %mul3A_14 = arith.muli %arg1, %mul3A_13 : i32
    "tpu.region"() ({
      %run_scoped3A = tpu.sem_alloc : memref<!tpu.dma_semaphore, #tpu.memory_space<semaphore_mem>>
      %dma_start3A = arith.constant 0 : i32
      %dma_start3A_15 = tpu.memref_slice %arg5[%arg0, %mul3A_14, %dma_start3A] : memref<2x10240x32xf32, #tpu.memory_space<hbm>> -> memref<1x640x32xf32, #tpu.memory_space<hbm>>
      %dma_start3A_16 = tpu.memref_squeeze %dma_start3A_15 : memref<1x640x32xf32, #tpu.memory_space<hbm>> -> memref<640x32xf32, #tpu.memory_space<hbm>>
      %dma_start3A_17 = arith.constant 0 : i32
      %dma_start3A_18 = tpu.memref_slice %arg9[%mul3A_12, %dma_start3A_17] : memref<10240x32xf32, #tpu.memory_space<vmem_shared>> -> memref<640x32xf32, #tpu.memory_space<vmem_shared>>
      tpu.enqueue_dma source(%dma_start3A_18 : memref<640x32xf32, #tpu.memory_space<vmem_shared>>) target(%dma_start3A_16 : memref<640x32xf32, #tpu.memory_space<hbm>>) target_semaphore(%run_scoped3A : memref<!tpu.dma_semaphore, #tpu.memory_space<semaphore_mem>>)
      %dma_wait3A = arith.constant 0 : i32
      %dma_wait3A_19 = tpu.memref_slice %arg5[%arg0, %mul3A_14, %dma_wait3A] : memref<2x10240x32xf32, #tpu.memory_space<hbm>> -> memref<1x640x32xf32, #tpu.memory_space<hbm>>
      %dma_wait3A_20 = tpu.memref_squeeze %dma_wait3A_19 : memref<1x640x32xf32, #tpu.memory_space<hbm>> -> memref<640x32xf32, #tpu.memory_space<hbm>>
      %dma_wait3A_21 = arith.constant 0 : i32
      %dma_wait3A_22 = tpu.memref_slice %arg9[%mul3A_12, %dma_wait3A_21] : memref<10240x32xf32, #tpu.memory_space<vmem_shared>> -> memref<640x32xf32, #tpu.memory_space<vmem_shared>>
      tpu.wait_dma2 semaphore(%run_scoped3A : memref<!tpu.dma_semaphore, #tpu.memory_space<semaphore_mem>>) src(%dma_wait3A_22 : memref<640x32xf32, #tpu.memory_space<vmem_shared>>) dst(%dma_wait3A_20 : memref<640x32xf32, #tpu.memory_space<hbm>>)
      tpu.yield
    }) : () -> ()
    return
  }
}

module attributes {stable_mosaic.version = 14 : i64} {
  func.func @_msg1_body(%arg0: i32, %arg1: memref<1024x128xf32, #tpu.memory_space<vmem>>, %arg2: memref<128x32xf32, #tpu.memory_space<vmem>>, %arg3: memref<1024x1xf32, #tpu.memory_space<vmem>>, %arg4: memref<1024x1xf32, #tpu.memory_space<vmem>>, %arg5: memref<1024x32xf32, #tpu.memory_space<vmem>>) attributes {dimension_semantics = [#tpu.dimension_semantics<arbitrary>], iteration_bounds = array<i64: 10>, scalar_prefetch = 0 : i64, scratch_operands = 0 : i64, tpu.core_type = #tpu.core_type<tc>, window_params = [{transform_indices = @transform_0, window_bounds = array<i64: 1024, 128>}, {pipeline_mode = #tpu.pipeline_mode<synchronous>, transform_indices = @transform_1, window_bounds = array<i64: 128, 32>}, {transform_indices = @transform_2, window_bounds = array<i64: 1024, 1>}, {transform_indices = @transform_3, window_bounds = array<i64: 1024, 1>}, {transform_indices = @transform_4, window_bounds = array<i64: 1024, 32>}]} {
    %get3A = arith.constant 0 : index
    %get3A_0 = arith.constant 0 : index
    %get3A_1 = vector.load %arg1[%get3A, %get3A_0] : memref<1024x128xf32, #tpu.memory_space<vmem>>, vector<1024x128xf32>
    %get3A_2 = arith.constant 0 : index
    %get3A_3 = arith.constant 0 : index
    %get3A_4 = vector.load %arg2[%get3A_2, %get3A_3] : memref<128x32xf32, #tpu.memory_space<vmem>>, vector<128x32xf32>
    %dot_general3A = arith.constant dense<0.000000e+00> : vector<1024x32xf32>
    %dot_general3A_5 = tpu.matmul %get3A_1, %get3A_4, %dot_general3A {dimension_numbers = #tpu.dot_dimension_numbers<[1], [0], [0], [1], [0, 0, 1, 1], [], []>, transpose_lhs_hint = false} : vector<1024x128xf32>, vector<128x32xf32>, vector<1024x32xf32> -> vector<1024x32xf32>
    %get3A_6 = arith.constant 0 : index
    %get3A_7 = arith.constant 0 : index
    %get3A_8 = vector.load %arg3[%get3A_6, %get3A_7] : memref<1024x1xf32, #tpu.memory_space<vmem>>, vector<1024x1xf32>
    %get3A_9 = arith.constant 0 : index
    %get3A_10 = arith.constant 0 : index
    %get3A_11 = vector.load %arg4[%get3A_9, %get3A_10] : memref<1024x1xf32, #tpu.memory_space<vmem>>, vector<1024x1xf32>
    %add3A = arith.addf %get3A_8, %get3A_11 : vector<1024x1xf32>
    %sub3A = arith.constant 1.000000e+00 : f32
    %sub3A_12 = vector.broadcast %sub3A : f32 to vector<1024x1xf32>
    %sub3A_13 = arith.subf %add3A, %sub3A_12 : vector<1024x1xf32>
    %max3A = arith.constant 1.000000e+00 : f32
    %max3A_14 = vector.broadcast %max3A : f32 to vector<1024x1xf32>
    %max3A_15 = arith.maximumf %sub3A_13, %max3A_14 : vector<1024x1xf32>
    %rsqrt3A = math.rsqrt %max3A_15 : vector<1024x1xf32>
    %mul3A = vector.broadcast %rsqrt3A : vector<1024x1xf32> to vector<1024x32xf32>
    %mul3A_16 = arith.mulf %dot_general3A_5, %mul3A : vector<1024x32xf32>
    %swap3A = arith.constant 0 : index
    %swap3A_17 = arith.constant 0 : index
    %swap3A_18 = vector.load %arg5[%swap3A, %swap3A_17] : memref<1024x32xf32, #tpu.memory_space<vmem>>, vector<1024x32xf32>
    tpu.vector_store %arg5[%swap3A, %swap3A_17], %mul3A_16 {strides = array<i32>} : memref<1024x32xf32, #tpu.memory_space<vmem>>, vector<1024x32xf32>,
    return
  }
  func.func @transform_0(%arg0: i32) -> (i32, i32) {
    %c0_i32 = arith.constant 0 : i32
    %c0_i32_0 = arith.constant 0 : i32
    return %arg0, %c0_i32 : i32, i32
  }
  func.func @transform_1(%arg0: i32) -> (i32, i32) {
    %c0_i32 = arith.constant 0 : i32
    %c0_i32_0 = arith.constant 0 : i32
    %c0_i32_1 = arith.constant 0 : i32
    return %c0_i32, %c0_i32_0 : i32, i32
  }
  func.func @transform_2(%arg0: i32) -> (i32, i32) {
    %c0_i32 = arith.constant 0 : i32
    %c0_i32_0 = arith.constant 0 : i32
    return %arg0, %c0_i32 : i32, i32
  }
  func.func @transform_3(%arg0: i32) -> (i32, i32) {
    %c0_i32 = arith.constant 0 : i32
    %c0_i32_0 = arith.constant 0 : i32
    return %arg0, %c0_i32 : i32, i32
  }
  func.func @transform_4(%arg0: i32) -> (i32, i32) {
    %c0_i32 = arith.constant 0 : i32
    %c0_i32_0 = arith.constant 0 : i32
    return %arg0, %c0_i32 : i32, i32
  }
}

module attributes {stable_mosaic.version = 14 : i64} {
  func.func @_msg2_body(%arg0: i32, %arg1: memref<1024x32xf32, #tpu.memory_space<vmem>>, %arg2: memref<1024x32xf32, #tpu.memory_space<vmem>>, %arg3: memref<1024x32xf32, #tpu.memory_space<vmem>>, %arg4: memref<1024x1xf32, #tpu.memory_space<vmem>>, %arg5: memref<1024x1xf32, #tpu.memory_space<vmem>>, %arg6: memref<1x32xf32, #tpu.memory_space<vmem>>, %arg7: memref<32x64xf32, #tpu.memory_space<vmem>>, %arg8: memref<1024x64xf32, #tpu.memory_space<vmem>>) attributes {dimension_semantics = [#tpu.dimension_semantics<arbitrary>], iteration_bounds = array<i64: 10>, scalar_prefetch = 0 : i64, scratch_operands = 0 : i64, tpu.core_type = #tpu.core_type<tc>, window_params = [{transform_indices = @transform_0, window_bounds = array<i64: 1024, 32>}, {transform_indices = @transform_1, window_bounds = array<i64: 1024, 32>}, {transform_indices = @transform_2, window_bounds = array<i64: 1024, 32>}, {transform_indices = @transform_3, window_bounds = array<i64: 1024, 1>}, {transform_indices = @transform_4, window_bounds = array<i64: 1024, 1>}, {pipeline_mode = #tpu.pipeline_mode<synchronous>, transform_indices = @transform_5, window_bounds = array<i64: 1, 32>}, {pipeline_mode = #tpu.pipeline_mode<synchronous>, transform_indices = @transform_6, window_bounds = array<i64: 32, 64>}, {transform_indices = @transform_7, window_bounds = array<i64: 1024, 64>}]} {
    %get3A = arith.constant 0 : index
    %get3A_0 = arith.constant 0 : index
    %get3A_1 = vector.load %arg4[%get3A, %get3A_0] : memref<1024x1xf32, #tpu.memory_space<vmem>>, vector<1024x1xf32>
    %get3A_2 = arith.constant 0 : index
    %get3A_3 = arith.constant 0 : index
    %get3A_4 = vector.load %arg5[%get3A_2, %get3A_3] : memref<1024x1xf32, #tpu.memory_space<vmem>>, vector<1024x1xf32>
    %add3A = arith.addf %get3A_1, %get3A_4 : vector<1024x1xf32>
    %sub3A = arith.constant 1.000000e+00 : f32
    %sub3A_5 = vector.broadcast %sub3A : f32 to vector<1024x1xf32>
    %sub3A_6 = arith.subf %add3A, %sub3A_5 : vector<1024x1xf32>
    %max3A = arith.constant 1.000000e+00 : f32
    %max3A_7 = vector.broadcast %max3A : f32 to vector<1024x1xf32>
    %max3A_8 = arith.maximumf %sub3A_6, %max3A_7 : vector<1024x1xf32>
    %rsqrt3A = math.rsqrt %max3A_8 : vector<1024x1xf32>
    %get3A_9 = arith.constant 0 : index
    %get3A_10 = arith.constant 0 : index
    %get3A_11 = vector.load %arg1[%get3A_9, %get3A_10] : memref<1024x32xf32, #tpu.memory_space<vmem>>, vector<1024x32xf32>
    %get3A_12 = arith.constant 0 : index
    %get3A_13 = arith.constant 0 : index
    %get3A_14 = vector.load %arg2[%get3A_12, %get3A_13] : memref<1024x32xf32, #tpu.memory_space<vmem>>, vector<1024x32xf32>
    %add3A_15 = arith.addf %get3A_11, %get3A_14 : vector<1024x32xf32>
    %get3A_16 = arith.constant 0 : index
    %get3A_17 = arith.constant 0 : index
    %get3A_18 = vector.load %arg3[%get3A_16, %get3A_17] : memref<1024x32xf32, #tpu.memory_space<vmem>>, vector<1024x32xf32>
    %sub3A_19 = arith.subf %add3A_15, %get3A_18 : vector<1024x32xf32>
    %mul3A = vector.broadcast %rsqrt3A : vector<1024x1xf32> to vector<1024x32xf32>
    %mul3A_20 = arith.mulf %mul3A, %sub3A_19 : vector<1024x32xf32>
    %get3A_21 = arith.constant 0 : index
    %get3A_22 = arith.constant 0 : index
    %get3A_23 = vector.load %arg6[%get3A_21, %get3A_22] : memref<1x32xf32, #tpu.memory_space<vmem>>, vector<1x32xf32>
    %add3A_24 = vector.broadcast %get3A_23 : vector<1x32xf32> to vector<1024x32xf32>
    %add3A_25 = arith.addf %mul3A_20, %add3A_24 : vector<1024x32xf32>
    %max3A_26 = arith.constant 0.000000e+00 : f32
    %max3A_27 = vector.broadcast %max3A_26 : f32 to vector<1024x32xf32>
    %max3A_28 = arith.maximumf %add3A_25, %max3A_27 : vector<1024x32xf32>
    %get3A_29 = arith.constant 0 : index
    %get3A_30 = arith.constant 0 : index
    %get3A_31 = vector.load %arg7[%get3A_29, %get3A_30] : memref<32x64xf32, #tpu.memory_space<vmem>>, vector<32x64xf32>
    %dot_general3A = arith.constant dense<0.000000e+00> : vector<1024x64xf32>
    %dot_general3A_32 = tpu.matmul %max3A_28, %get3A_31, %dot_general3A {dimension_numbers = #tpu.dot_dimension_numbers<[1], [0], [0], [1], [0, 0, 1, 1], [], []>, transpose_lhs_hint = false} : vector<1024x32xf32>, vector<32x64xf32>, vector<1024x64xf32> -> vector<1024x64xf32>
    %mul3A_33 = vector.broadcast %rsqrt3A : vector<1024x1xf32> to vector<1024x64xf32>
    %mul3A_34 = arith.mulf %dot_general3A_32, %mul3A_33 : vector<1024x64xf32>
    %swap3A = arith.constant 0 : index
    %swap3A_35 = arith.constant 0 : index
    %swap3A_36 = vector.load %arg8[%swap3A, %swap3A_35] : memref<1024x64xf32, #tpu.memory_space<vmem>>, vector<1024x64xf32>
    tpu.vector_store %arg8[%swap3A, %swap3A_35], %mul3A_34 {strides = array<i32>} : memref<1024x64xf32, #tpu.memory_space<vmem>>, vector<1024x64xf32>,
    return
  }
  func.func @transform_0(%arg0: i32) -> (i32, i32) {
    %c0_i32 = arith.constant 0 : i32
    %c0_i32_0 = arith.constant 0 : i32
    return %arg0, %c0_i32 : i32, i32
  }
  func.func @transform_1(%arg0: i32) -> (i32, i32) {
    %c0_i32 = arith.constant 0 : i32
    %c0_i32_0 = arith.constant 0 : i32
    return %arg0, %c0_i32 : i32, i32
  }
  func.func @transform_2(%arg0: i32) -> (i32, i32) {
    %c0_i32 = arith.constant 0 : i32
    %c0_i32_0 = arith.constant 0 : i32
    return %arg0, %c0_i32 : i32, i32
  }
  func.func @transform_3(%arg0: i32) -> (i32, i32) {
    %c0_i32 = arith.constant 0 : i32
    %c0_i32_0 = arith.constant 0 : i32
    return %arg0, %c0_i32 : i32, i32
  }
  func.func @transform_4(%arg0: i32) -> (i32, i32) {
    %c0_i32 = arith.constant 0 : i32
    %c0_i32_0 = arith.constant 0 : i32
    return %arg0, %c0_i32 : i32, i32
  }
  func.func @transform_5(%arg0: i32) -> (i32, i32) {
    %c0_i32 = arith.constant 0 : i32
    %c0_i32_0 = arith.constant 0 : i32
    %c0_i32_1 = arith.constant 0 : i32
    return %c0_i32, %c0_i32_0 : i32, i32
  }
  func.func @transform_6(%arg0: i32) -> (i32, i32) {
    %c0_i32 = arith.constant 0 : i32
    %c0_i32_0 = arith.constant 0 : i32
    %c0_i32_1 = arith.constant 0 : i32
    return %c0_i32, %c0_i32_0 : i32, i32
  }
  func.func @transform_7(%arg0: i32) -> (i32, i32) {
    %c0_i32 = arith.constant 0 : i32
    %c0_i32_0 = arith.constant 0 : i32
    return %arg0, %c0_i32 : i32, i32
  }
}

module attributes {stable_mosaic.version = 14 : i64} {
  func.func @_final_body(%arg0: i32, %arg1: memref<10240x64xf32, #tpu.memory_space<vmem>>, %arg2: memref<10240x64xf32, #tpu.memory_space<vmem>>, %arg3: memref<10240x64xf32, #tpu.memory_space<vmem>>, %arg4: memref<10240x1xf32, #tpu.memory_space<vmem>>, %arg5: memref<10240x1xf32, #tpu.memory_space<vmem>>, %arg6: memref<1x64xf32, #tpu.memory_space<vmem>>, %arg7: memref<1x10240xi32, #tpu.memory_space<vmem>>, %arg8: memref<64x128xf32, #tpu.memory_space<vmem>>, %arg9: memref<1x128xf32, #tpu.memory_space<vmem>>, %arg10: memref<128x128xf32, #tpu.memory_space<vmem>>, %arg11: memref<1x128xf32, #tpu.memory_space<vmem>>, %arg12: memref<32x128xf32, #tpu.memory_space<vmem>>) attributes {dimension_semantics = [#tpu.dimension_semantics<arbitrary>], iteration_bounds = array<i64: 1>, scalar_prefetch = 0 : i64, scratch_operands = 0 : i64, tpu.core_type = #tpu.core_type<tc>, window_params = [{pipeline_mode = #tpu.pipeline_mode<synchronous>, transform_indices = @transform_0, window_bounds = array<i64: 10240, 64>}, {pipeline_mode = #tpu.pipeline_mode<synchronous>, transform_indices = @transform_1, window_bounds = array<i64: 10240, 64>}, {pipeline_mode = #tpu.pipeline_mode<synchronous>, transform_indices = @transform_2, window_bounds = array<i64: 10240, 64>}, {pipeline_mode = #tpu.pipeline_mode<synchronous>, transform_indices = @transform_3, window_bounds = array<i64: 10240, 1>}, {pipeline_mode = #tpu.pipeline_mode<synchronous>, transform_indices = @transform_4, window_bounds = array<i64: 10240, 1>}, {pipeline_mode = #tpu.pipeline_mode<synchronous>, transform_indices = @transform_5, window_bounds = array<i64: 1, 64>}, {pipeline_mode = #tpu.pipeline_mode<synchronous>, transform_indices = @transform_6, window_bounds = array<i64: 1, 10240>}, {pipeline_mode = #tpu.pipeline_mode<synchronous>, transform_indices = @transform_7, window_bounds = array<i64: 64, 128>}, {pipeline_mode = #tpu.pipeline_mode<synchronous>, transform_indices = @transform_8, window_bounds = array<i64: 1, 128>}, {pipeline_mode = #tpu.pipeline_mode<synchronous>, transform_indices = @transform_9, window_bounds = array<i64: 128, 128>}, {pipeline_mode = #tpu.pipeline_mode<synchronous>, transform_indices = @transform_10, window_bounds = array<i64: 1, 128>}, {pipeline_mode = #tpu.pipeline_mode<synchronous>, transform_indices = @transform_11, window_bounds = array<i64: 32, 128>}]} {
    %get3A = arith.constant 0 : index
    %get3A_0 = arith.constant 0 : index
    %get3A_1 = vector.load %arg4[%get3A, %get3A_0] : memref<10240x1xf32, #tpu.memory_space<vmem>>, vector<10240x1xf32>
    %get3A_2 = arith.constant 0 : index
    %get3A_3 = arith.constant 0 : index
    %get3A_4 = vector.load %arg5[%get3A_2, %get3A_3] : memref<10240x1xf32, #tpu.memory_space<vmem>>, vector<10240x1xf32>
    %add3A = arith.addf %get3A_1, %get3A_4 : vector<10240x1xf32>
    %sub3A = arith.constant 1.000000e+00 : f32
    %sub3A_5 = vector.broadcast %sub3A : f32 to vector<10240x1xf32>
    %sub3A_6 = arith.subf %add3A, %sub3A_5 : vector<10240x1xf32>
    %max3A = arith.constant 1.000000e+00 : f32
    %max3A_7 = vector.broadcast %max3A : f32 to vector<10240x1xf32>
    %max3A_8 = arith.maximumf %sub3A_6, %max3A_7 : vector<10240x1xf32>
    %rsqrt3A = math.rsqrt %max3A_8 : vector<10240x1xf32>
    %get3A_9 = arith.constant 0 : index
    %get3A_10 = arith.constant 0 : index
    %get3A_11 = vector.load %arg1[%get3A_9, %get3A_10] : memref<10240x64xf32, #tpu.memory_space<vmem>>, vector<10240x64xf32>
    %get3A_12 = arith.constant 0 : index
    %get3A_13 = arith.constant 0 : index
    %get3A_14 = vector.load %arg2[%get3A_12, %get3A_13] : memref<10240x64xf32, #tpu.memory_space<vmem>>, vector<10240x64xf32>
    %add3A_15 = arith.addf %get3A_11, %get3A_14 : vector<10240x64xf32>
    %get3A_16 = arith.constant 0 : index
    %get3A_17 = arith.constant 0 : index
    %get3A_18 = vector.load %arg3[%get3A_16, %get3A_17] : memref<10240x64xf32, #tpu.memory_space<vmem>>, vector<10240x64xf32>
    %sub3A_19 = arith.subf %add3A_15, %get3A_18 : vector<10240x64xf32>
    %mul3A = vector.broadcast %rsqrt3A : vector<10240x1xf32> to vector<10240x64xf32>
    %mul3A_20 = arith.mulf %mul3A, %sub3A_19 : vector<10240x64xf32>
    %get3A_21 = arith.constant 0 : index
    %get3A_22 = arith.constant 0 : index
    %get3A_23 = vector.load %arg6[%get3A_21, %get3A_22] : memref<1x64xf32, #tpu.memory_space<vmem>>, vector<1x64xf32>
    %add3A_24 = vector.broadcast %get3A_23 : vector<1x64xf32> to vector<10240x64xf32>
    %add3A_25 = arith.addf %mul3A_20, %add3A_24 : vector<10240x64xf32>
    %get3A_26 = arith.constant 0 : index
    %get3A_27 = arith.constant 0 : index
    %get3A_28 = vector.load %arg7[%get3A_26, %get3A_27] : memref<1x10240xi32, #tpu.memory_space<vmem>>, vector<1x10240xi32>
    %iota3A = tpu.iota {dimensions = array<i32: 0>} : vector<32x10240xi32>
    %eq3A = vector.broadcast %get3A_28 : vector<1x10240xi32> to vector<32x10240xi32>
    %eq3A_29 = arith.cmpi eq, %iota3A, %eq3A : vector<32x10240xi32>
    %jit3A = arith.constant 1.000000e+00 : f32
    %jit3A_30 = arith.constant 0.000000e+00 : f32
    %broadcast_in_dim3A = vector.broadcast %jit3A : f32 to vector<32x10240xf32>
    %broadcast_in_dim3A_31 = vector.broadcast %jit3A_30 : f32 to vector<32x10240xf32>
    %select_n3A = arith.select %eq3A_29, %broadcast_in_dim3A, %broadcast_in_dim3A_31 : vector<32x10240xi1>, vector<32x10240xf32>
    %dot_general3A = arith.constant dense<0.000000e+00> : vector<32x64xf32>
    %dot_general3A_32 = tpu.matmul %select_n3A, %add3A_25, %dot_general3A {dimension_numbers = #tpu.dot_dimension_numbers<[1], [0], [0], [1], [0, 0, 1, 1], [], []>, transpose_lhs_hint = false} : vector<32x10240xf32>, vector<10240x64xf32>, vector<32x64xf32> -> vector<32x64xf32>
    %reduce_sum3A = arith.constant dense<0.000000e+00> : vector<32xf32>
    %reduce_sum3A_33 = vector.multi_reduction <add>, %select_n3A, %reduce_sum3A [1] : vector<32x10240xf32> to vector<32xf32>
    %broadcast_in_dim3A_34 = vector.shape_cast %reduce_sum3A_33 : vector<32xf32> to vector<32x1xf32>
    %max3A_35 = arith.constant 1.000000e+00 : f32
    %max3A_36 = vector.broadcast %max3A_35 : f32 to vector<32x1xf32>
    %max3A_37 = arith.maximumf %broadcast_in_dim3A_34, %max3A_36 : vector<32x1xf32>
    %div3A = vector.broadcast %max3A_37 : vector<32x1xf32> to vector<32x64xf32>
    %div3A_38 = arith.divf %dot_general3A_32, %div3A : vector<32x64xf32>
    %get3A_39 = arith.constant 0 : index
    %get3A_40 = arith.constant 0 : index
    %get3A_41 = vector.load %arg8[%get3A_39, %get3A_40] : memref<64x128xf32, #tpu.memory_space<vmem>>, vector<64x128xf32>
    %dot_general3A_42 = arith.constant dense<0.000000e+00> : vector<32x128xf32>
    %dot_general3A_43 = tpu.matmul %div3A_38, %get3A_41, %dot_general3A_42 {dimension_numbers = #tpu.dot_dimension_numbers<[1], [0], [0], [1], [0, 0, 1, 1], [], []>, transpose_lhs_hint = false} : vector<32x64xf32>, vector<64x128xf32>, vector<32x128xf32> -> vector<32x128xf32>
    %get3A_44 = arith.constant 0 : index
    %get3A_45 = arith.constant 0 : index
    %get3A_46 = vector.load %arg9[%get3A_44, %get3A_45] : memref<1x128xf32, #tpu.memory_space<vmem>>, vector<1x128xf32>
    %add3A_47 = vector.broadcast %get3A_46 : vector<1x128xf32> to vector<32x128xf32>
    %add3A_48 = arith.addf %dot_general3A_43, %add3A_47 : vector<32x128xf32>
    %max3A_49 = arith.constant 0.000000e+00 : f32
    %max3A_50 = vector.broadcast %max3A_49 : f32 to vector<32x128xf32>
    %max3A_51 = arith.maximumf %add3A_48, %max3A_50 : vector<32x128xf32>
    %get3A_52 = arith.constant 0 : index
    %get3A_53 = arith.constant 0 : index
    %get3A_54 = vector.load %arg10[%get3A_52, %get3A_53] : memref<128x128xf32, #tpu.memory_space<vmem>>, vector<128x128xf32>
    %dot_general3A_55 = arith.constant dense<0.000000e+00> : vector<32x128xf32>
    %dot_general3A_56 = tpu.matmul %max3A_51, %get3A_54, %dot_general3A_55 {dimension_numbers = #tpu.dot_dimension_numbers<[1], [0], [0], [1], [0, 0, 1, 1], [], []>, transpose_lhs_hint = false} : vector<32x128xf32>, vector<128x128xf32>, vector<32x128xf32> -> vector<32x128xf32>
    %get3A_57 = arith.constant 0 : index
    %get3A_58 = arith.constant 0 : index
    %get3A_59 = vector.load %arg11[%get3A_57, %get3A_58] : memref<1x128xf32, #tpu.memory_space<vmem>>, vector<1x128xf32>
    %add3A_60 = vector.broadcast %get3A_59 : vector<1x128xf32> to vector<32x128xf32>
    %add3A_61 = arith.addf %dot_general3A_56, %add3A_60 : vector<32x128xf32>
    %swap3A = arith.constant 0 : index
    %swap3A_62 = arith.constant 0 : index
    %swap3A_63 = vector.load %arg12[%swap3A, %swap3A_62] : memref<32x128xf32, #tpu.memory_space<vmem>>, vector<32x128xf32>
    tpu.vector_store %arg12[%swap3A, %swap3A_62], %add3A_61 {strides = array<i32>} : memref<32x128xf32, #tpu.memory_space<vmem>>, vector<32x128xf32>,
    return
  }
  func.func @transform_0(%arg0: i32) -> (i32, i32) {
    %c0_i32 = arith.constant 0 : i32
    %c0_i32_0 = arith.constant 0 : i32
    %c0_i32_1 = arith.constant 0 : i32
    return %c0_i32, %c0_i32_0 : i32, i32
  }
  func.func @transform_1(%arg0: i32) -> (i32, i32) {
    %c0_i32 = arith.constant 0 : i32
    %c0_i32_0 = arith.constant 0 : i32
    %c0_i32_1 = arith.constant 0 : i32
    return %c0_i32, %c0_i32_0 : i32, i32
  }
  func.func @transform_2(%arg0: i32) -> (i32, i32) {
    %c0_i32 = arith.constant 0 : i32
    %c0_i32_0 = arith.constant 0 : i32
    %c0_i32_1 = arith.constant 0 : i32
    return %c0_i32, %c0_i32_0 : i32, i32
  }
  func.func @transform_3(%arg0: i32) -> (i32, i32) {
    %c0_i32 = arith.constant 0 : i32
    %c0_i32_0 = arith.constant 0 : i32
    %c0_i32_1 = arith.constant 0 : i32
    return %c0_i32, %c0_i32_0 : i32, i32
  }
  func.func @transform_4(%arg0: i32) -> (i32, i32) {
    %c0_i32 = arith.constant 0 : i32
    %c0_i32_0 = arith.constant 0 : i32
    %c0_i32_1 = arith.constant 0 : i32
    return %c0_i32, %c0_i32_0 : i32, i32
  }
  func.func @transform_5(%arg0: i32) -> (i32, i32) {
    %c0_i32 = arith.constant 0 : i32
    %c0_i32_0 = arith.constant 0 : i32
    %c0_i32_1 = arith.constant 0 : i32
    return %c0_i32, %c0_i32_0 : i32, i32
  }
  func.func @transform_6(%arg0: i32) -> (i32, i32) {
    %c0_i32 = arith.constant 0 : i32
    %c0_i32_0 = arith.constant 0 : i32
    %c0_i32_1 = arith.constant 0 : i32
    return %c0_i32, %c0_i32_0 : i32, i32
  }
  func.func @transform_7(%arg0: i32) -> (i32, i32) {
    %c0_i32 = arith.constant 0 : i32
    %c0_i32_0 = arith.constant 0 : i32
    %c0_i32_1 = arith.constant 0 : i32
    return %c0_i32, %c0_i32_0 : i32, i32
  }
  func.func @transform_8(%arg0: i32) -> (i32, i32) {
    %c0_i32 = arith.constant 0 : i32
    %c0_i32_0 = arith.constant 0 : i32
    %c0_i32_1 = arith.constant 0 : i32
    return %c0_i32, %c0_i32_0 : i32, i32
  }
  func.func @transform_9(%arg0: i32) -> (i32, i32) {
    %c0_i32 = arith.constant 0 : i32
    %c0_i32_0 = arith.constant 0 : i32
    %c0_i32_1 = arith.constant 0 : i32
    return %c0_i32, %c0_i32_0 : i32, i32
  }
  func.func @transform_10(%arg0: i32) -> (i32, i32) {
    %c0_i32 = arith.constant 0 : i32
    %c0_i32_0 = arith.constant 0 : i32
    %c0_i32_1 = arith.constant 0 : i32
    return %c0_i32, %c0_i32_0 : i32, i32
  }
  func.func @transform_11(%arg0: i32) -> (i32, i32) {
    %c0_i32 = arith.constant 0 : i32
    %c0_i32_0 = arith.constant 0 : i32
    %c0_i32_1 = arith.constant 0 : i32
    return %c0_i32, %c0_i32_0 : i32, i32
  }
}

</mosaic_0001>

<sc_bundles>
// kernel: kernel.11.cloned.1.call-start
scs
__scs_entry_jumppad:
0x0: {  	(pc) =	sbr.rel $0x88, $3  }
0x1: {  	(tag) =	ssettag $0x0;
	lr =	simm.s32 $0x1  }
0x2: {  	[smem:$0x3F96] =	sst lr;
	_ =	strace $0xD0000000  }
0x3: {  	_ = 	snop  }
0x4: {  	_ = 	snop  }
0x5: {  	_ = 	snop  }
0x6: {  	_ = 	snop  }
0x7: {  	_ = 	snop  }
__scs_overlays_trampoline_lowered:
0x8: {  	[smem:$0x3FA5] =	sst s0  }
0x9: {  	[smem:$0x3FA6] =	sst s1  }
0xa: {  	[smem:$0x3FA7] =	sst s2  }
0xb: {  	[smem:$0x3FA8] =	sst s3  }
0xc: {  	[smem:$0x3FA9] =	sst s4  }
0xd: {  	[smem:$0x3FAA] =	sst s5  }
0xe: {  	[smem:$0x3FAB] =	sst s6  }
0xf: {  	[smem:$0x3FAC] =	sst s7  }
0x10: {  	[smem:$0x3FAD] =	sst s8  }
0x11: {  	[smem:$0x3FAE] =	sst s9;
	s0 =	simm.s32 @!p0 $0x0  }
0x12: {  	s1 =	sld [smem:$0x3F94];
	s0 =	simm.s32 @p0 $0x1  }
0x13: {  	[smem:$0x3FAF] =	sst s0;
	s0 =	simm.s32 @!p1 $0x0  }
0x14: {  	s2 =	sld [smem:$0x3F93];
	s0 =	simm.s32 @p1 $0x1  }
0x15: {  	[smem:$0x3FB0] =	sst s0;
	s0 =	simm.s32 @!p2 $0x0  }
0x16: {  	s3 =	sld [smem:$0x3FDB];
	s0 =	simm.s32 @p2 $0x1  }
0x17: {  	s4 =	simm.s32 $0x1BF5;
	[smem:$0x3FB2] =	sst s0  }
0x18: {  	s0 =	sld [smem:$0x3F95];
	_ =	swait.ge [sflag:s4], $0x0  }
0x19: {  	s7 =	sld [smem:$0x3F96]  }
0x1a: {  	s8 =	sadd.s32 $0xFFFFE003, lr  }
0x1b: {  	s9 =	sadd.s32 $0xFFFFFEF7, lr;
	s5 =	simm.s32 $0xFFFFFFFF;
	p2 =	slt.u32 s8, $0xFFFFF086  }
0x1c: {  	p1 =	slt.u32 s9, $0xF7A;
	s5 =	simm.s32 @!p2 $0x0  }
0x1d: {  	s5 =	simm.s32 @p1 $0x1;
	p0 =	seq.s32 s7, s2  }
0x1e: {  	s7 =	smul.u32 @!p0 $0xF7A, s2;
	p2 =	seq.s32 @!p0 s5, $0x0  }
0x1f: {  	s9 =	smul.u32 $0xF7A, s1;
	s8 =	simm.s32 @!p0 $0x1BF5;
	p2 =	por !p2, p0  }
0x20: {  	[sflag:s8] =	ssyncset.s32 @!p0 $0xFFFFF086;
	s6 =	sadd.s32 @!p0 s3, s7;
	s7 =	simm.s32 @!p0 $0x108  }
0x21: {  	s3 =	sadd.s32 s3, s9;
	s6 =	sadd.s32 @!p0 $0x88, s6;
	s7 =	simm.s32 @p2 $0x1082  }
0x22: {  	[simem:s7], [sflag:s8] =	dma.local @!p0 [hbm:s6], $0xF7A  }
0x23: {  	s9 =	sor.u32 $0xD0000000, s2;
	s6 =	simm.s32 $0x108;
	_ =	swait.ge @!p0 [sflag:s8], $0x0  }
0x24: {  	s3 =	sadd.s32 $0x88, s3;
	s6 =	simm.s32 @!p1 $0x1082;
	[sflag:s4] =	ssyncset.s32 $0xFFFFF086  }
0x25: {  	[simem:s6], [sflag:s4] =	dma.local [hbm:s3], $0xF7A  }
0x26: {  	[smem:$0x3F96] =	sst s1;
	(tag) =	ssettag s2;
	_ =	strace s9  }
0x27: {  	s1 =	sld [smem:$0x3FA6]  }
0x28: {  	s2 =	sld [smem:$0x3FA7]  }
0x29: {  	s4 =	sld [smem:$0x3FA9]  }
0x2a: {  	p0 =	seq.s32 s5, $0x0;
	s5 =	sld [smem:$0x3FAA]  }
0x2b: {  	s6 =	sld [smem:$0x3FAB]  }
0x2c: {  	s7 =	sld [smem:$0x3FAC]  }
0x2d: {  	s3 =	simm.s32 $0x108;
	s8 =	sld [smem:$0x3FAD]  }
0x2e: {  	s3 =	simm.s32 @!p0 $0x1082;
	s9 =	sld [smem:$0x3FAE]  }
0x2f: {  	lr =	sadd.s32 s0, s3;
	s0 =	sld [smem:$0x3FA5]  }
0x30: {  	s3 =	sld [smem:$0x3FA8]  }
0x31: {  	[smem:$0x3FB1] =	sst s10  }
0x32: {  	s10 =	sld [smem:$0x3FAF];
	_ =	sdelay $0x3  }
0x33: {  	p0 =	seq.s32 s10, $0x1;
	s10 =	sld [smem:$0x3FB1];
	_ =	sdelay $0x3  }
0x34: {  	[smem:$0x3FB1] =	sst s10  }
0x35: {  	s10 =	sld [smem:$0x3FB0];
	_ =	sdelay $0x3  }
0x36: {  	p1 =	seq.s32 s10, $0x1;
	s10 =	sld [smem:$0x3FB1];
	_ =	sdelay $0x3  }
0x37: {  	[smem:$0x3FB1] =	sst s10  }
0x38: {  	s10 =	sld [smem:$0x3FB2]  }
0x39: {  	_ = 	snop;
	(pc) =	sbr.ind lr, $3  }
0x3a: {  	_ = 	snop  }
0x3b: {  	_ = 	snop  }
0x3c: {  	p2 =	seq.s32 s10, $0x1;
	s10 =	sld [smem:$0x3FB1]  }
0x3d: {  	_ =	shalt  }
0x3e: {  	_ =	shalt  }
0x3f: {  	_ =	shalt  }
0x40: {  	_ =	shalt  }
0x41: {  	_ =	shalt  }
0x42: {  	_ =	shalt  }
0x43: {  	_ =	shalt  }
0x44: {  	_ =	shalt  }
0x45: {  	_ =	shalt  }
0x46: {  	_ =	shalt  }
0x47: {  	_ =	shalt  }
0x48: {  	_ =	shalt  }
0x49: {  	_ =	shalt  }
0x4a: {  	_ =	shalt  }
0x4b: {  	_ =	shalt  }
0x4c: {  	_ =	shalt  }
0x4d: {  	_ =	shalt  }
0x4e: {  	_ =	shalt  }
0x4f: {  	_ =	shalt  }
0x50: {  	_ =	shalt  }
0x51: {  	_ =	shalt  }
0x52: {  	_ =	shalt  }
0x53: {  	_ =	shalt  }
0x54: {  	_ =	shalt  }
0x55: {  	_ =	shalt  }
0x56: {  	_ =	shalt  }
0x57: {  	_ =	shalt  }
0x58: {  	_ =	shalt  }
0x59: {  	_ =	shalt  }
0x5a: {  	_ =	shalt  }
0x5b: {  	_ =	shalt  }
0x5c: {  	_ =	shalt  }
0x5d: {  	_ =	shalt  }
0x5e: {  	_ =	shalt  }
0x5f: {  	_ =	shalt  }
0x60: {  	_ =	shalt  }
0x61: {  	_ =	shalt  }
0x62: {  	_ =	shalt  }
0x63: {  	_ =	shalt  }
0x64: {  	_ =	shalt  }
0x65: {  	_ =	shalt  }
0x66: {  	_ =	shalt  }
0x67: {  	_ =	shalt  }
0x68: {  	_ =	shalt  }
0x69: {  	_ =	shalt  }
0x6a: {  	_ =	shalt  }
0x6b: {  	_ =	shalt  }
0x6c: {  	_ =	shalt  }
0x6d: {  	_ =	shalt  }
0x6e: {  	_ =	shalt  }
0x6f: {  	_ =	shalt  }
0x70: {  	_ =	shalt  }
0x71: {  	_ =	shalt  }
0x72: {  	_ =	shalt  }
0x73: {  	_ =	shalt  }
0x74: {  	_ =	shalt  }
0x75: {  	_ =	shalt  }
0x76: {  	_ =	shalt  }
0x77: {  	_ =	shalt  }
0x78: {  	_ =	shalt  }
0x79: {  	_ =	shalt  }
0x7a: {  	_ =	shalt  }
0x7b: {  	_ =	shalt  }
0x7c: {  	_ =	shalt  }
0x7d: {  	_ =	shalt  }
0x7e: {  	_ =	shalt  }
0x7f: {  	_ =	shalt  }
0x80: {  	_ =	shalt  }
0x81: {  	_ =	shalt  }
0x82: {  	_ =	shalt  }
0x83: {  	_ =	shalt  }
0x84: {  	_ =	shalt  }
0x85: {  	_ =	shalt  }
0x86: {  	_ =	shalt  }
0x87: {  	_ =	shalt  }
.Lfunc_end0:
.L_simem_size_0:
called_computation.1_lowered:
.L_overlay_start_0:
0x88: {  	s2 =	sld [smem:$0x3FD9]  }
0x89: {  	s3 =	sld [smem:$0x3FFE];
	_ =	sdelay $0x1  }
0x8a: {  	s1 =	srdreg.scid  }
0x8b: {  	s0 =	sand.u32 $0x1, s1  }
0x8c: {  	s16 =	sshll.u32 s0, $0xA;
	s2 =	sadd.s32 s3, s2  }
0x8d: {  	s2 =	sadd.s32 s2, s16  }
0x8e: {  	[smem:$0x3FBD] =	sst s2  }
0x8f: {  	_ = 	snop  }
0x90: {  	(tm) =	ssettm $0x1  }
0x91: {  	s17 =	sld [smem:$0x3FFB];
	_ =	sdelay $0x3  }
0x92: {  	_ =	strace s17  }
0x93: {  	s2 =	sld [smem:$0x3FFC];
	_ =	sdelay $0x3  }
0x94: {  	_ =	strace s2  }
0x95: {  	s2 =	sld [smem:$0x3FFD];
	_ =	sdelay $0x3  }
0x96: {  	_ =	strace s2  }
0x97: {  	_ =	strace $0x8FFFFFFF  }
0x98: {  	s18 =	sld [smem:$0x3FDB];
	_ =	sdelay $0x1  }
0x99: {  	s19 =	simm.s32 $_scs_section_size  }
0x9a: {  	s4 =	simm.s32 $_size__tile_overlayer_lowered;
	s5 =	simm.s32 $_tile_overlayer_lowered  }
0x9b: {  	s22 =	simm.s32 $0x1BFF;
	s21 =	sshll.u32 s5, $0x1;
	s2 =	sadd.s32 s19, s18  }
0x9c: {  	s6 =	simm.s32 $0x0;
	s20 =	sshll.u32 s4, $0x1;
	s4 =	sadd.s32 s21, s2  }
0x9d: {  	[timem:s6], [sflag:s22] =	dma.local [hbm:s4], s20  }
0x9e: {  	_ =	swait.ge [sflag:s22], s20  }
0x9f: {  	s3 =	ssub.s32 $0x0, s20;
	[sflag:s22] =	ssyncset.done $0x0  }
0xa0: {  	[sflag:s22] =	ssyncadd.s32 s3;
	_ =	sdelay $0x1  }
0xa1: {  	s23 =	simm.s32 $0x1B8B  }
0xa2: {  	_ =	swait.ge [sflag:s23], $0x1  }
0xa3: {  	[sflag:s23] =	ssyncset.done $0x0  }
0xa4: {  	s25 =	simm.s32 $0x1B8E;
	s24 =	sld [smem:$0x3FFE];
	[sflag:s23] =	ssyncadd.s32 $0xFFFFFFFF  }
0xa5: {  	s26 =	simm.s32 $execute0_lowered;
	[smem:$0x3FD2] =	sst s25  }
0xa6: {  	s4 =	sshll.u32 s26, $0x1;
	_ =	strace $0x80000049;
	[dreg:$0x1] =	wrdreg $0xFFFFFFFF  }
0xa7: {  	s28 =	simm.s32 $_size_execute0_lowered;
	s2 =	sadd.s32 s2, s4;
	[dreg:$0x0] =	wrdreg $0x0  }
0xa8: {  	s4 =	sshll.u32 s28, $0x1;
	[dreg:$0x2] =	wrdreg s2  }
0xa9: {  	[dreg:$0x3] =	wrdreg s4  }
0xaa: {  	[dreg:$0x4] =	wrdreg $0xC0  }
0xab: {  	_ =	task [dreg:s6], $0x5FFFF  }
0xac: {  	[dreg:$0x1] =	wrdreg $0xFFFFFFFF  }
0xad: {  	[dreg:$0x0] =	wrdreg $0x60  }
0xae: {  	[dreg:$0x2] =	wrdreg s24  }
0xaf: {  	[dreg:$0x3] =	wrdreg $0x5F000  }
0xb0: {  	[dreg:$0x4] =	wrdreg $0x9  }
0xb1: {  	_ =	task.clear_ibuf [dreg:s6], $0x5FFFF;
	_ =	strace $0x90000049  }
0xb2: {  	s29 =	simm.s32 $0x9;
	_ =	strace $0x8000004B  }
0xb3: {  	_ =	swait.ge [sflag:s29], $0x1  }
0xb4: {  	[sflag:s29] =	ssyncadd.s32 $0xFFFFFFFF  }
0xb5: {  	_ =	strace $0x9000004B  }
0xb6: {  	_ =	sfence  }
0xb7: {  	s30 =	sld [smem:$0x0];
	_ =	sdelay $0x2  }
0xb8: {  	s31 =	sshll.u32 s1, $0xD;
	s1 =	sshrl.u32 s1, $0x2  }
0xb9: {  	s3 =	sand.u32 $0x4000, s31;
	s1 =	sadd.s32 s1, s30  }
0xba: {  	s0 =	sor.u32 s3, s0;
	s1 =	sshll.u32 s1, $0x11  }
0xbb: {  	s0 =	sor.u32 s1, s0  }
0xbc: {  	s0 =	sadd.s32 $0x8F2B, s0  }
0xbd: {  	[sflag:s0] =	ssyncadd.remote.s32 $0x1  }
0xbe: {  	_ =	sfence.sel $0xFFFF  }
0xbf: {  	[dreg:$0x0] =	wrdreg $0xFFFFFFFF;
	(pc) =	sbr.abs _section_cstart, $3  }
0xc0: {  	[dreg:$0x1] =	wrdreg $0xFFFFFFFF  }
0xc1: {  	_ =	task.clear_ibuf [dreg:s6], $0x2FFFF;
	_ =	strace $0x9FFFFFFF  }
0xc2: {  	(tm) =	ssettm $0x7FFFFFFF  }
0xc3: {  	_ =	shalt  }
tec
execute0_lowered:
.L_overlay_start_1:
0x0: {  	(tag) =	ssettag $0x1  }
0x1: {  	s0 =	srdreg.scid;
	s5 =	rddreg [dreg:$0x0]  }
0x2: {  	s2 =	rddreg [dreg:$0x1];
	s3 =	simm.s32 $0x0;
	s13 =	simm.s32 $0x2780  }
0x3: {  	s14 =	simm.s32 $0x80;
	s15 =	simm.s32 $0x4F00;
	s16 =	simm.s32 $0x1  }
0x4: {  	s17 =	simm.s32 $0x0;
	s4 =	sand.u32 $0x1, s0;
	s0 =	stileid.u32  }
0x5: {  	[smem:$0x7FF] =	sst s3;
	s1 =	sshll.u32 s4, $0x4;
	s7 =	smul.u32 $0x5000, s0  }
0x6: {  	s8 =	smul.u32 $0x50000, s4;
	s29 =	ssub.s32 $0x2, s4;
	s4 =	sadd.s32 $0x90200, s5  }
0x7: {  	s31 =	sshll.u32 s0, $0x6;
	s1 =	sor.u32 s0, s1;
	s10 =	sshrl.u32 s29, $0x1  }
0x8: {  	s6 =	smul.u32 $0x4F0, s1;
	s1 =	rddreg [dreg:$0x2];
	_ =	strace $0x8000004A  }
0x9: {  	s28 =	sadd.s32 s7, s8;
	s10 =	ssub.s32 s29, s10;
	s30 =	sshrl.u32 s7, $0x3  }
0xa: {  	s12 =	sadd.s32 s7, s2;
	s9 =	sadd.s32 s6, s5;
	s6 =	sshrl.u32 s28, $0x3  }
0xb: {  	s10 =	smax.u32 s10, $0x1;
	s11 =	sadd.s32 s6, s5;
	s5 =	sadd.s32 s4, s30  }
0xc: {  	s6 =	sor.u32 $0x1C02, s31;
	s7 =	sadd.s32 $0xE400, s9;
	s8 =	sadd.s32 $0x3C00, s9  }
0xd: {  	s9 =	sadd.s32 $0x9A200, s11;
	s11 =	sshrl.u32 s12, $0x3;
	s12 =	simm.s32 $0x2  }
.LBB2_1:
0xe: {  	[spmem:s11], [sflag:s6] =	dma.local [hbm:s5], $0xA00  }
0xf: {  	_ =	swait.ge [sflag:s12], $0xA00  }
0x10: {  	[sflag:s12] =	ssyncset.done $0x0  }
0x11: {  	[sflag:s12] =	ssyncadd.s32 $0xFFFFF600  }
0x12: {  	[tilespmem:s3], [sflag:$0x2] =	stream.linear.gather [hbm4b:s7+s3], $0x2780, $0x38;
	[tilespmem:$0xAF00] =	vst v63  }
0x13: {  	_ =	swait.ge [sflag:s12], $0x2780  }
0x14: {  	[sflag:s12] =	ssyncset.done $0x0  }
0x15: {  	[sflag:s12] =	ssyncadd.s32 $0xFFFFD880  }
0x16: {  	[tilespmem:s13], [sflag:$0x2] =	stream.linear.gather [hbm4b:s8+s3], $0x2780, $0x38;
	[tilespmem:$0xAF00] =	vst v63  }
0x17: {  	_ =	swait.ge [sflag:s12], $0x2780  }
0x18: {  	[sflag:s12] =	ssyncset.done $0x0  }
0x19: {  	[sflag:s12] =	ssyncadd.s32 $0xFFFFD880  }
0x1a: {  	s18 =	simm.s32 $0x0;
	[bflag:$0x0] =	sbarrier.arrive $0xFFFF  }
0x1b: {  	[tilespmem:s15], [sflag:$0x1] =	stream.indirect.gather [hbm4b:s4+s14], $0x20, s18, s14, $0xb8;
	[tilespmem:$0xAF00] =	vst v63  }
0x1c: {  	_ =	swait.ge [sflag:s16], $0x1000  }
0x1d: {  	[sflag:s16] =	ssyncset.done $0x0  }
0x1e: {  	s31 =	simm.s32 $0x2780;
	[sflag:s16] =	ssyncadd.s32 $0xFFFFF000  }
0x1f: {  	[spmem:s2] =	stream.indirect.scatter.add.f32 [tilespmem:s15], [sflag:$0x2], $0x20, s31, s14, $0xb8;
	[tilespmem:$0xAF00] =	vst v63  }
0x20: {  	_ =	swait.ge [sflag:s12], $0x1000  }
0x21: {  	s19 =	simm.s32 $0x400;
	s18 =	simm.s32 $0x200;
	[sflag:s12] =	ssyncset.done $0x0  }
.LBB2_2:
0x22: {  	s20 =	sshra.s32 s18, $0x2  }
0x23: {  	[sflag:s12] =	ssyncadd.s32 $0xFFFFF000;
	s18 =	smov.u32 s19;
	s21 =	sadd.s32 $0x200, s19  }
0x24: {  	[tilespmem:s15], [sflag:$0x1] =	stream.indirect.gather [hbm4b:s4+s14], $0x20, s20, s14, $0xb8;
	[tilespmem:$0xAF00] =	vst v63  }
0x25: {  	p0 =	sne.s32 s19, $0x9C00;
	_ =	swait.ge [sflag:s16], $0x1000  }
.Ltmp0:
0x26: {  	[sflag:s16] =	ssyncset.done $0x0;
	(pc) =	sbr.rel @p0 .LBB2_2-.Ltmp0, $4  }
0x27: {  	s19 =	sadd.s32 $0x2780, s20;
	[sflag:s16] =	ssyncadd.s32 $0xFFFFF000  }
0x28: {  	[spmem:s2] =	stream.indirect.scatter.add.f32 [tilespmem:s15], [sflag:$0x2], $0x20, s19, s14, $0xb8;
	[tilespmem:$0xAF00] =	vst v63  }
0x29: {  	_ =	swait.ge [sflag:s12], $0x1000  }
0x2a: {  	s19 =	smov.u32 s21;
	[sflag:s12] =	ssyncset.done $0x0  }
0x2b: {  	s18 =	sshra.s32 s18, $0x2;
	[sflag:s12] =	ssyncadd.s32 $0xFFFFF000  }
0x2c: {  	[tilespmem:s15], [sflag:$0x1] =	stream.indirect.gather [hbm4b:s4+s14], $0x20, s18, s14, $0xb8;
	[tilespmem:$0xAF00] =	vst v63  }
0x2d: {  	_ =	swait.ge [sflag:s16], $0x1000  }
0x2e: {  	[sflag:s16] =	ssyncset.done $0x0  }
0x2f: {  	s18 =	sadd.s32 $0x2780, s18;
	[sflag:s16] =	ssyncadd.s32 $0xFFFFF000  }
0x30: {  	[spmem:s2] =	stream.indirect.scatter.add.f32 [tilespmem:s15], [sflag:$0x2], $0x20, s18, s14, $0xb8;
	[tilespmem:$0xAF00] =	vst v63  }
0x31: {  	_ =	swait.ge [sflag:s12], $0x1000  }
0x32: {  	s17 =	sadd.s32 $0x1, s17;
	[sflag:s12] =	ssyncset.done $0x0  }
0x33: {  	p0 =	sne.s32 s17, s10;
	[sflag:s12] =	ssyncadd.s32 $0xFFFFF000  }
.Ltmp1:
0x34: {  	[bflag:$0x0] =	sbarrier.arrive $0xFFFF;
	(pc) =	sbr.rel @p0 .LBB2_1-.Ltmp1, $4  }
0x35: {  	[hbm:s9], [sflag:s6] =	dma.local [spmem:s11], $0xA00  }
0x36: {  	_ =	swait.ge [sflag:s12], $0xA00  }
0x37: {  	[sflag:s12] =	ssyncset.done $0x0  }
0x38: {  	[sflag:s12] =	ssyncadd.s32 $0xFFFFF600  }
0x39: {  	_ =	sfence.sel $0x180000  }
0x3a: {  	[bflag:$0x0] =	sbarrier.arrive $0xFFFF  }
0x3b: {  	p0 =	sne.s32 s0, $0x0;
	_ =	strace $0x9000004A  }
0x3c: {  	s0 =	sadd.s32 @!p0 $0x100000, s1;
	[bflag:$0x2] =	sbarrier.arrive $0xFFFF  }
0x3d: {  	[sflag:s0] =	ssyncadd.tile.s32 @!p0 $0x1;
	_ =	shalt  }
.Lfunc_end2:
_tile_overlayer_lowered:
.L_overlay_start_2:
0x3e: {  	(tag) =	ssettag $0x2  }
0x3f: {  	s0 =	rddreg [dreg:$0x0];
	s2 =	stileid.u32  }
0x40: {  	s1 =	rddreg [dreg:$0x1];
	p0 =	sne.s32 s2, $0x0  }
0x41: {  	s3 =	rddreg [dreg:$0x2];
	[bflag:$0x3] =	sbarrier.arrive $0xFFFF;
	s2 =	simm.s32 @!p0 $0x1C02  }
0x42: {  	[timem:s3], [sflag:s2] =	dma.local @!p0 [hbm:s0], s1  }
0x43: {  	s0 =	simm.s32 @!p0 $0x2  }
0x44: {  	_ =	swait.ge @!p0 [sflag:s0], s1  }
0x45: {  	s1 =	ssub.s32 @!p0 $0x0, s1;
	[sflag:s0] =	ssyncset.done @!p0 $0x0  }
0x46: {  	[sflag:s0] =	ssyncadd.s32 @!p0 s1  }
0x47: {  	[bflag:$0x3] =	sbarrier.arrive $0xFFFF  }
0x48: {  	_ =	shalt  }

// kernel: kernel.14.cloned.1.call-start
scs
__scs_entry_jumppad:
0x0: {  	(pc) =	sbr.rel $0x88, $3  }
0x1: {  	(tag) =	ssettag $0x0;
	lr =	simm.s32 $0x1  }
0x2: {  	[smem:$0x3F96] =	sst lr;
	_ =	strace $0xD0000000  }
0x3: {  	_ = 	snop  }
0x4: {  	_ = 	snop  }
0x5: {  	_ = 	snop  }
0x6: {  	_ = 	snop  }
0x7: {  	_ = 	snop  }
__scs_overlays_trampoline_lowered:
0x8: {  	[smem:$0x3FA5] =	sst s0  }
0x9: {  	[smem:$0x3FA6] =	sst s1  }
0xa: {  	[smem:$0x3FA7] =	sst s2  }
0xb: {  	[smem:$0x3FA8] =	sst s3  }
0xc: {  	[smem:$0x3FA9] =	sst s4  }
0xd: {  	[smem:$0x3FAA] =	sst s5  }
0xe: {  	[smem:$0x3FAB] =	sst s6  }
0xf: {  	[smem:$0x3FAC] =	sst s7  }
0x10: {  	[smem:$0x3FAD] =	sst s8  }
0x11: {  	[smem:$0x3FAE] =	sst s9;
	s0 =	simm.s32 @!p0 $0x0  }
0x12: {  	s1 =	sld [smem:$0x3F94];
	s0 =	simm.s32 @p0 $0x1  }
0x13: {  	[smem:$0x3FAF] =	sst s0;
	s0 =	simm.s32 @!p1 $0x0  }
0x14: {  	s2 =	sld [smem:$0x3F93];
	s0 =	simm.s32 @p1 $0x1  }
0x15: {  	[smem:$0x3FB0] =	sst s0;
	s0 =	simm.s32 @!p2 $0x0  }
0x16: {  	s3 =	sld [smem:$0x3FDB];
	s0 =	simm.s32 @p2 $0x1  }
0x17: {  	s4 =	simm.s32 $0x1BF5;
	[smem:$0x3FB2] =	sst s0  }
0x18: {  	s0 =	sld [smem:$0x3F95];
	_ =	swait.ge [sflag:s4], $0x0  }
0x19: {  	s7 =	sld [smem:$0x3F96]  }
0x1a: {  	s8 =	sadd.s32 $0xFFFFE003, lr  }
0x1b: {  	s9 =	sadd.s32 $0xFFFFFEF7, lr;
	s5 =	simm.s32 $0xFFFFFFFF;
	p2 =	slt.u32 s8, $0xFFFFF086  }
0x1c: {  	p1 =	slt.u32 s9, $0xF7A;
	s5 =	simm.s32 @!p2 $0x0  }
0x1d: {  	s5 =	simm.s32 @p1 $0x1;
	p0 =	seq.s32 s7, s2  }
0x1e: {  	s7 =	smul.u32 @!p0 $0xF7A, s2;
	p2 =	seq.s32 @!p0 s5, $0x0  }
0x1f: {  	s9 =	smul.u32 $0xF7A, s1;
	s8 =	simm.s32 @!p0 $0x1BF5;
	p2 =	por !p2, p0  }
0x20: {  	[sflag:s8] =	ssyncset.s32 @!p0 $0xFFFFF086;
	s6 =	sadd.s32 @!p0 s3, s7;
	s7 =	simm.s32 @!p0 $0x108  }
0x21: {  	s3 =	sadd.s32 s3, s9;
	s6 =	sadd.s32 @!p0 $0x88, s6;
	s7 =	simm.s32 @p2 $0x1082  }
0x22: {  	[simem:s7], [sflag:s8] =	dma.local @!p0 [hbm:s6], $0xF7A  }
0x23: {  	s9 =	sor.u32 $0xD0000000, s2;
	s6 =	simm.s32 $0x108;
	_ =	swait.ge @!p0 [sflag:s8], $0x0  }
0x24: {  	s3 =	sadd.s32 $0x88, s3;
	s6 =	simm.s32 @!p1 $0x1082;
	[sflag:s4] =	ssyncset.s32 $0xFFFFF086  }
0x25: {  	[simem:s6], [sflag:s4] =	dma.local [hbm:s3], $0xF7A  }
0x26: {  	[smem:$0x3F96] =	sst s1;
	(tag) =	ssettag s2;
	_ =	strace s9  }
0x27: {  	s1 =	sld [smem:$0x3FA6]  }
0x28: {  	s2 =	sld [smem:$0x3FA7]  }
0x29: {  	s4 =	sld [smem:$0x3FA9]  }
0x2a: {  	p0 =	seq.s32 s5, $0x0;
	s5 =	sld [smem:$0x3FAA]  }
0x2b: {  	s6 =	sld [smem:$0x3FAB]  }
0x2c: {  	s7 =	sld [smem:$0x3FAC]  }
0x2d: {  	s3 =	simm.s32 $0x108;
	s8 =	sld [smem:$0x3FAD]  }
0x2e: {  	s3 =	simm.s32 @!p0 $0x1082;
	s9 =	sld [smem:$0x3FAE]  }
0x2f: {  	lr =	sadd.s32 s0, s3;
	s0 =	sld [smem:$0x3FA5]  }
0x30: {  	s3 =	sld [smem:$0x3FA8]  }
0x31: {  	[smem:$0x3FB1] =	sst s10  }
0x32: {  	s10 =	sld [smem:$0x3FAF];
	_ =	sdelay $0x3  }
0x33: {  	p0 =	seq.s32 s10, $0x1;
	s10 =	sld [smem:$0x3FB1];
	_ =	sdelay $0x3  }
0x34: {  	[smem:$0x3FB1] =	sst s10  }
0x35: {  	s10 =	sld [smem:$0x3FB0];
	_ =	sdelay $0x3  }
0x36: {  	p1 =	seq.s32 s10, $0x1;
	s10 =	sld [smem:$0x3FB1];
	_ =	sdelay $0x3  }
0x37: {  	[smem:$0x3FB1] =	sst s10  }
0x38: {  	s10 =	sld [smem:$0x3FB2]  }
0x39: {  	_ = 	snop;
	(pc) =	sbr.ind lr, $3  }
0x3a: {  	_ = 	snop  }
0x3b: {  	_ = 	snop  }
0x3c: {  	p2 =	seq.s32 s10, $0x1;
	s10 =	sld [smem:$0x3FB1]  }
0x3d: {  	_ =	shalt  }
0x3e: {  	_ =	shalt  }
0x3f: {  	_ =	shalt  }
0x40: {  	_ =	shalt  }
0x41: {  	_ =	shalt  }
0x42: {  	_ =	shalt  }
0x43: {  	_ =	shalt  }
0x44: {  	_ =	shalt  }
0x45: {  	_ =	shalt  }
0x46: {  	_ =	shalt  }
0x47: {  	_ =	shalt  }
0x48: {  	_ =	shalt  }
0x49: {  	_ =	shalt  }
0x4a: {  	_ =	shalt  }
0x4b: {  	_ =	shalt  }
0x4c: {  	_ =	shalt  }
0x4d: {  	_ =	shalt  }
0x4e: {  	_ =	shalt  }
0x4f: {  	_ =	shalt  }
0x50: {  	_ =	shalt  }
0x51: {  	_ =	shalt  }
0x52: {  	_ =	shalt  }
0x53: {  	_ =	shalt  }
0x54: {  	_ =	shalt  }
0x55: {  	_ =	shalt  }
0x56: {  	_ =	shalt  }
0x57: {  	_ =	shalt  }
0x58: {  	_ =	shalt  }
0x59: {  	_ =	shalt  }
0x5a: {  	_ =	shalt  }
0x5b: {  	_ =	shalt  }
0x5c: {  	_ =	shalt  }
0x5d: {  	_ =	shalt  }
0x5e: {  	_ =	shalt  }
0x5f: {  	_ =	shalt  }
0x60: {  	_ =	shalt  }
0x61: {  	_ =	shalt  }
0x62: {  	_ =	shalt  }
0x63: {  	_ =	shalt  }
0x64: {  	_ =	shalt  }
0x65: {  	_ =	shalt  }
0x66: {  	_ =	shalt  }
0x67: {  	_ =	shalt  }
0x68: {  	_ =	shalt  }
0x69: {  	_ =	shalt  }
0x6a: {  	_ =	shalt  }
0x6b: {  	_ =	shalt  }
0x6c: {  	_ =	shalt  }
0x6d: {  	_ =	shalt  }
0x6e: {  	_ =	shalt  }
0x6f: {  	_ =	shalt  }
0x70: {  	_ =	shalt  }
0x71: {  	_ =	shalt  }
0x72: {  	_ =	shalt  }
0x73: {  	_ =	shalt  }
0x74: {  	_ =	shalt  }
0x75: {  	_ =	shalt  }
0x76: {  	_ =	shalt  }
0x77: {  	_ =	shalt  }
0x78: {  	_ =	shalt  }
0x79: {  	_ =	shalt  }
0x7a: {  	_ =	shalt  }
0x7b: {  	_ =	shalt  }
0x7c: {  	_ =	shalt  }
0x7d: {  	_ =	shalt  }
0x7e: {  	_ =	shalt  }
0x7f: {  	_ =	shalt  }
0x80: {  	_ =	shalt  }
0x81: {  	_ =	shalt  }
0x82: {  	_ =	shalt  }
0x83: {  	_ =	shalt  }
0x84: {  	_ =	shalt  }
0x85: {  	_ =	shalt  }
0x86: {  	_ =	shalt  }
0x87: {  	_ =	shalt  }
.Lfunc_end0:
.L_simem_size_0:
called_computation.2_lowered:
.L_overlay_start_0:
0x88: {  	s2 =	sld [smem:$0x3FD9]  }
0x89: {  	s3 =	sld [smem:$0x3FFE];
	_ =	sdelay $0x1  }
0x8a: {  	s1 =	srdreg.scid  }
0x8b: {  	s0 =	sand.u32 $0x1, s1  }
0x8c: {  	s16 =	sshll.u32 s0, $0xA;
	s2 =	sadd.s32 s3, s2  }
0x8d: {  	s2 =	sadd.s32 s2, s16  }
0x8e: {  	[smem:$0x3FBD] =	sst s2  }
0x8f: {  	_ = 	snop  }
0x90: {  	(tm) =	ssettm $0x1  }
0x91: {  	s17 =	sld [smem:$0x3FFB];
	_ =	sdelay $0x3  }
0x92: {  	_ =	strace s17  }
0x93: {  	s2 =	sld [smem:$0x3FFC];
	_ =	sdelay $0x3  }
0x94: {  	_ =	strace s2  }
0x95: {  	s2 =	sld [smem:$0x3FFD];
	_ =	sdelay $0x3  }
0x96: {  	_ =	strace s2  }
0x97: {  	_ =	strace $0x8FFFFFFF  }
0x98: {  	s18 =	sld [smem:$0x3FDB];
	_ =	sdelay $0x1  }
0x99: {  	s19 =	simm.s32 $_scs_section_size  }
0x9a: {  	s4 =	simm.s32 $_size__tile_overlayer_lowered;
	s5 =	simm.s32 $_tile_overlayer_lowered  }
0x9b: {  	s22 =	simm.s32 $0x1BFF;
	s21 =	sshll.u32 s5, $0x1;
	s2 =	sadd.s32 s19, s18  }
0x9c: {  	s6 =	simm.s32 $0x0;
	s20 =	sshll.u32 s4, $0x1;
	s4 =	sadd.s32 s21, s2  }
0x9d: {  	[timem:s6], [sflag:s22] =	dma.local [hbm:s4], s20  }
0x9e: {  	_ =	swait.ge [sflag:s22], s20  }
0x9f: {  	s3 =	ssub.s32 $0x0, s20;
	[sflag:s22] =	ssyncset.done $0x0  }
0xa0: {  	[sflag:s22] =	ssyncadd.s32 s3;
	_ =	sdelay $0x1  }
0xa1: {  	s23 =	simm.s32 $0x1B8B  }
0xa2: {  	_ =	swait.ge [sflag:s23], $0x1  }
0xa3: {  	[sflag:s23] =	ssyncset.done $0x0  }
0xa4: {  	s25 =	simm.s32 $0x1B8E;
	s24 =	sld [smem:$0x3FFE];
	[sflag:s23] =	ssyncadd.s32 $0xFFFFFFFF  }
0xa5: {  	s26 =	simm.s32 $execute0_lowered;
	[smem:$0x3FD2] =	sst s25  }
0xa6: {  	s4 =	sshll.u32 s26, $0x1;
	_ =	strace $0x8000004C;
	[dreg:$0x1] =	wrdreg $0xFFFFFFFF  }
0xa7: {  	s28 =	simm.s32 $_size_execute0_lowered;
	s2 =	sadd.s32 s2, s4;
	[dreg:$0x0] =	wrdreg $0x0  }
0xa8: {  	s4 =	sshll.u32 s28, $0x1;
	[dreg:$0x2] =	wrdreg s2  }
0xa9: {  	[dreg:$0x3] =	wrdreg s4  }
0xaa: {  	[dreg:$0x4] =	wrdreg $0xC0  }
0xab: {  	_ =	task [dreg:s6], $0x5FFFF  }
0xac: {  	[dreg:$0x1] =	wrdreg $0xFFFFFFFF  }
0xad: {  	[dreg:$0x0] =	wrdreg $0x60  }
0xae: {  	[dreg:$0x2] =	wrdreg s24  }
0xaf: {  	[dreg:$0x3] =	wrdreg $0x6F000  }
0xb0: {  	[dreg:$0x4] =	wrdreg $0x9  }
0xb1: {  	_ =	task.clear_ibuf [dreg:s6], $0x5FFFF;
	_ =	strace $0x9000004C  }
0xb2: {  	s29 =	simm.s32 $0x9;
	_ =	strace $0x8000004E  }
0xb3: {  	_ =	swait.ge [sflag:s29], $0x1  }
0xb4: {  	[sflag:s29] =	ssyncadd.s32 $0xFFFFFFFF  }
0xb5: {  	_ =	strace $0x9000004E  }
0xb6: {  	_ =	sfence  }
0xb7: {  	s30 =	sld [smem:$0x0];
	_ =	sdelay $0x2  }
0xb8: {  	s31 =	sshll.u32 s1, $0xD;
	s1 =	sshrl.u32 s1, $0x2  }
0xb9: {  	s3 =	sand.u32 $0x4000, s31;
	s1 =	sadd.s32 s1, s30  }
0xba: {  	s0 =	sor.u32 s3, s0;
	s1 =	sshll.u32 s1, $0x11  }
0xbb: {  	s0 =	sor.u32 s1, s0  }
0xbc: {  	s0 =	sadd.s32 $0x8F2B, s0  }
0xbd: {  	[sflag:s0] =	ssyncadd.remote.s32 $0x1  }
0xbe: {  	_ =	sfence.sel $0xFFFF  }
0xbf: {  	[dreg:$0x0] =	wrdreg $0xFFFFFFFF;
	(pc) =	sbr.abs _section_cstart, $3  }
0xc0: {  	[dreg:$0x1] =	wrdreg $0xFFFFFFFF  }
0xc1: {  	_ =	task.clear_ibuf [dreg:s6], $0x2FFFF;
	_ =	strace $0x9FFFFFFF  }
0xc2: {  	(tm) =	ssettm $0x7FFFFFFF  }
0xc3: {  	_ =	shalt  }
tec
execute0_lowered:
.L_overlay_start_1:
0x0: {  	(tag) =	ssettag $0x1  }
0x1: {  	s0 =	srdreg.scid;
	s5 =	rddreg [dreg:$0x0]  }
0x2: {  	s2 =	rddreg [dreg:$0x1];
	s3 =	simm.s32 $0x0;
	s13 =	simm.s32 $0x2780  }
0x3: {  	s14 =	simm.s32 $0x80;
	s15 =	simm.s32 $0x4F00;
	s16 =	simm.s32 $0x1  }
0x4: {  	s17 =	simm.s32 $0x0;
	s4 =	sand.u32 $0x1, s0;
	s0 =	stileid.u32  }
0x5: {  	[smem:$0x7FF] =	sst s3;
	s1 =	sshll.u32 s4, $0x4;
	s7 =	smul.u32 $0xA000, s0  }
0x6: {  	s8 =	smul.u32 $0xA0000, s4;
	s29 =	ssub.s32 $0x2, s4;
	s4 =	sadd.s32 $0x68200, s5  }
0x7: {  	s31 =	sshll.u32 s0, $0x6;
	s1 =	sor.u32 s0, s1;
	s10 =	sshrl.u32 s29, $0x1  }
0x8: {  	s6 =	smul.u32 $0x4F0, s1;
	s1 =	rddreg [dreg:$0x2];
	_ =	strace $0x8000004D  }
0x9: {  	s28 =	sadd.s32 s7, s8;
	s10 =	ssub.s32 s29, s10;
	s30 =	sshrl.u32 s7, $0x3  }
0xa: {  	s12 =	sadd.s32 s7, s2;
	s9 =	sadd.s32 s6, s5;
	s6 =	sshrl.u32 s28, $0x3  }
0xb: {  	s10 =	smax.u32 s10, $0x1;
	s11 =	sadd.s32 s6, s5;
	s5 =	sadd.s32 s4, s30  }
0xc: {  	s6 =	sor.u32 $0x1C02, s31;
	s7 =	sadd.s32 $0xE400, s9;
	s8 =	sadd.s32 $0x3C00, s9  }
0xd: {  	s9 =	sadd.s32 $0x7C200, s11;
	s11 =	sshrl.u32 s12, $0x3;
	s12 =	simm.s32 $0x2  }
.LBB2_1:
0xe: {  	[spmem:s11], [sflag:s6] =	dma.local [hbm:s5], $0x1400  }
0xf: {  	_ =	swait.ge [sflag:s12], $0x1400  }
0x10: {  	[sflag:s12] =	ssyncset.done $0x0  }
0x11: {  	[sflag:s12] =	ssyncadd.s32 $0xFFFFEC00  }
0x12: {  	[tilespmem:s3], [sflag:$0x2] =	stream.linear.gather [hbm4b:s7+s3], $0x2780, $0x38;
	[tilespmem:$0x10F00] =	vst v63  }
0x13: {  	_ =	swait.ge [sflag:s12], $0x2780  }
0x14: {  	[sflag:s12] =	ssyncset.done $0x0  }
0x15: {  	[sflag:s12] =	ssyncadd.s32 $0xFFFFD880  }
0x16: {  	[tilespmem:s13], [sflag:$0x2] =	stream.linear.gather [hbm4b:s8+s3], $0x2780, $0x38;
	[tilespmem:$0x10F00] =	vst v63  }
0x17: {  	_ =	swait.ge [sflag:s12], $0x2780  }
0x18: {  	[sflag:s12] =	ssyncset.done $0x0  }
0x19: {  	[sflag:s12] =	ssyncadd.s32 $0xFFFFD880  }
0x1a: {  	s18 =	simm.s32 $0x0;
	[bflag:$0x0] =	sbarrier.arrive $0xFFFF  }
0x1b: {  	[tilespmem:s15], [sflag:$0x1] =	stream.indirect.gather [hbm4b:s4+s14], $0x40, s18, s14, $0xb8;
	[tilespmem:$0x10F00] =	vst v63  }
0x1c: {  	_ =	swait.ge [sflag:s16], $0x2000  }
0x1d: {  	[sflag:s16] =	ssyncset.done $0x0  }
0x1e: {  	s31 =	simm.s32 $0x2780;
	[sflag:s16] =	ssyncadd.s32 $0xFFFFE000  }
0x1f: {  	[spmem:s2] =	stream.indirect.scatter.add.f32 [tilespmem:s15], [sflag:$0x2], $0x40, s31, s14, $0xb8;
	[tilespmem:$0x10F00] =	vst v63  }
0x20: {  	_ =	swait.ge [sflag:s12], $0x2000  }
0x21: {  	s19 =	simm.s32 $0x400;
	s18 =	simm.s32 $0x200;
	[sflag:s12] =	ssyncset.done $0x0  }
.LBB2_2:
0x22: {  	s20 =	sshra.s32 s18, $0x2  }
0x23: {  	[sflag:s12] =	ssyncadd.s32 $0xFFFFE000;
	s18 =	smov.u32 s19;
	s21 =	sadd.s32 $0x200, s19  }
0x24: {  	[tilespmem:s15], [sflag:$0x1] =	stream.indirect.gather [hbm4b:s4+s14], $0x40, s20, s14, $0xb8;
	[tilespmem:$0x10F00] =	vst v63  }
0x25: {  	p0 =	sne.s32 s19, $0x9C00;
	_ =	swait.ge [sflag:s16], $0x2000  }
.Ltmp0:
0x26: {  	[sflag:s16] =	ssyncset.done $0x0;
	(pc) =	sbr.rel @p0 .LBB2_2-.Ltmp0, $4  }
0x27: {  	s19 =	sadd.s32 $0x2780, s20;
	[sflag:s16] =	ssyncadd.s32 $0xFFFFE000  }
0x28: {  	[spmem:s2] =	stream.indirect.scatter.add.f32 [tilespmem:s15], [sflag:$0x2], $0x40, s19, s14, $0xb8;
	[tilespmem:$0x10F00] =	vst v63  }
0x29: {  	_ =	swait.ge [sflag:s12], $0x2000  }
0x2a: {  	s19 =	smov.u32 s21;
	[sflag:s12] =	ssyncset.done $0x0  }
0x2b: {  	s18 =	sshra.s32 s18, $0x2;
	[sflag:s12] =	ssyncadd.s32 $0xFFFFE000  }
0x2c: {  	[tilespmem:s15], [sflag:$0x1] =	stream.indirect.gather [hbm4b:s4+s14], $0x40, s18, s14, $0xb8;
	[tilespmem:$0x10F00] =	vst v63  }
0x2d: {  	_ =	swait.ge [sflag:s16], $0x2000  }
0x2e: {  	[sflag:s16] =	ssyncset.done $0x0  }
0x2f: {  	s18 =	sadd.s32 $0x2780, s18;
	[sflag:s16] =	ssyncadd.s32 $0xFFFFE000  }
0x30: {  	[spmem:s2] =	stream.indirect.scatter.add.f32 [tilespmem:s15], [sflag:$0x2], $0x40, s18, s14, $0xb8;
	[tilespmem:$0x10F00] =	vst v63  }
0x31: {  	_ =	swait.ge [sflag:s12], $0x2000  }
0x32: {  	s17 =	sadd.s32 $0x1, s17;
	[sflag:s12] =	ssyncset.done $0x0  }
0x33: {  	p0 =	sne.s32 s17, s10;
	[sflag:s12] =	ssyncadd.s32 $0xFFFFE000  }
.Ltmp1:
0x34: {  	[bflag:$0x0] =	sbarrier.arrive $0xFFFF;
	(pc) =	sbr.rel @p0 .LBB2_1-.Ltmp1, $4  }
0x35: {  	[hbm:s9], [sflag:s6] =	dma.local [spmem:s11], $0x1400  }
0x36: {  	_ =	swait.ge [sflag:s12], $0x1400  }
0x37: {  	[sflag:s12] =	ssyncset.done $0x0  }
0x38: {  	[sflag:s12] =	ssyncadd.s32 $0xFFFFEC00  }
0x39: {  	_ =	sfence.sel $0x180000  }
0x3a: {  	[bflag:$0x0] =	sbarrier.arrive $0xFFFF  }
0x3b: {  	p0 =	sne.s32 s0, $0x0;
	_ =	strace $0x9000004D  }
0x3c: {  	s0 =	sadd.s32 @!p0 $0x100000, s1;
	[bflag:$0x2] =	sbarrier.arrive $0xFFFF  }
0x3d: {  	[sflag:s0] =	ssyncadd.tile.s32 @!p0 $0x1;
	_ =	shalt  }
.Lfunc_end2:
_tile_overlayer_lowered:
.L_overlay_start_2:
0x3e: {  	(tag) =	ssettag $0x2  }
0x3f: {  	s0 =	rddreg [dreg:$0x0];
	s2 =	stileid.u32  }
0x40: {  	s1 =	rddreg [dreg:$0x1];
	p0 =	sne.s32 s2, $0x0  }
0x41: {  	s3 =	rddreg [dreg:$0x2];
	[bflag:$0x3] =	sbarrier.arrive $0xFFFF;
	s2 =	simm.s32 @!p0 $0x1C02  }
0x42: {  	[timem:s3], [sflag:s2] =	dma.local @!p0 [hbm:s0], s1  }
0x43: {  	s0 =	simm.s32 @!p0 $0x2  }
0x44: {  	_ =	swait.ge @!p0 [sflag:s0], s1  }
0x45: {  	s1 =	ssub.s32 @!p0 $0x0, s1;
	[sflag:s0] =	ssyncset.done @!p0 $0x0  }
0x46: {  	[sflag:s0] =	ssyncadd.s32 @!p0 s1  }
0x47: {  	[bflag:$0x3] =	sbarrier.arrive $0xFFFF  }
0x48: {  	_ =	shalt  }

// kernel: kernel.8.cloned.1.call-start
scs
__scs_entry_jumppad:
0x0: {  	(pc) =	sbr.rel $0x88, $3  }
0x1: {  	(tag) =	ssettag $0x0;
	lr =	simm.s32 $0x1  }
0x2: {  	[smem:$0x3F96] =	sst lr;
	_ =	strace $0xD0000000  }
0x3: {  	_ = 	snop  }
0x4: {  	_ = 	snop  }
0x5: {  	_ = 	snop  }
0x6: {  	_ = 	snop  }
0x7: {  	_ = 	snop  }
__scs_overlays_trampoline_lowered:
0x8: {  	[smem:$0x3FA5] =	sst s0  }
0x9: {  	[smem:$0x3FA6] =	sst s1  }
0xa: {  	[smem:$0x3FA7] =	sst s2  }
0xb: {  	[smem:$0x3FA8] =	sst s3  }
0xc: {  	[smem:$0x3FA9] =	sst s4  }
0xd: {  	[smem:$0x3FAA] =	sst s5  }
0xe: {  	[smem:$0x3FAB] =	sst s6  }
0xf: {  	[smem:$0x3FAC] =	sst s7  }
0x10: {  	[smem:$0x3FAD] =	sst s8  }
0x11: {  	[smem:$0x3FAE] =	sst s9;
	s0 =	simm.s32 @!p0 $0x0  }
0x12: {  	s1 =	sld [smem:$0x3F94];
	s0 =	simm.s32 @p0 $0x1  }
0x13: {  	[smem:$0x3FAF] =	sst s0;
	s0 =	simm.s32 @!p1 $0x0  }
0x14: {  	s2 =	sld [smem:$0x3F93];
	s0 =	simm.s32 @p1 $0x1  }
0x15: {  	[smem:$0x3FB0] =	sst s0;
	s0 =	simm.s32 @!p2 $0x0  }
0x16: {  	s3 =	sld [smem:$0x3FDB];
	s0 =	simm.s32 @p2 $0x1  }
0x17: {  	s4 =	simm.s32 $0x1BF5;
	[smem:$0x3FB2] =	sst s0  }
0x18: {  	s0 =	sld [smem:$0x3F95];
	_ =	swait.ge [sflag:s4], $0x0  }
0x19: {  	s7 =	sld [smem:$0x3F96]  }
0x1a: {  	s8 =	sadd.s32 $0xFFFFE003, lr  }
0x1b: {  	s9 =	sadd.s32 $0xFFFFFEF7, lr;
	s5 =	simm.s32 $0xFFFFFFFF;
	p2 =	slt.u32 s8, $0xFFFFF086  }
0x1c: {  	p1 =	slt.u32 s9, $0xF7A;
	s5 =	simm.s32 @!p2 $0x0  }
0x1d: {  	s5 =	simm.s32 @p1 $0x1;
	p0 =	seq.s32 s7, s2  }
0x1e: {  	s7 =	smul.u32 @!p0 $0xF7A, s2;
	p2 =	seq.s32 @!p0 s5, $0x0  }
0x1f: {  	s9 =	smul.u32 $0xF7A, s1;
	s8 =	simm.s32 @!p0 $0x1BF5;
	p2 =	por !p2, p0  }
0x20: {  	[sflag:s8] =	ssyncset.s32 @!p0 $0xFFFFF086;
	s6 =	sadd.s32 @!p0 s3, s7;
	s7 =	simm.s32 @!p0 $0x108  }
0x21: {  	s3 =	sadd.s32 s3, s9;
	s6 =	sadd.s32 @!p0 $0x88, s6;
	s7 =	simm.s32 @p2 $0x1082  }
0x22: {  	[simem:s7], [sflag:s8] =	dma.local @!p0 [hbm:s6], $0xF7A  }
0x23: {  	s9 =	sor.u32 $0xD0000000, s2;
	s6 =	simm.s32 $0x108;
	_ =	swait.ge @!p0 [sflag:s8], $0x0  }
0x24: {  	s3 =	sadd.s32 $0x88, s3;
	s6 =	simm.s32 @!p1 $0x1082;
	[sflag:s4] =	ssyncset.s32 $0xFFFFF086  }
0x25: {  	[simem:s6], [sflag:s4] =	dma.local [hbm:s3], $0xF7A  }
0x26: {  	[smem:$0x3F96] =	sst s1;
	(tag) =	ssettag s2;
	_ =	strace s9  }
0x27: {  	s1 =	sld [smem:$0x3FA6]  }
0x28: {  	s2 =	sld [smem:$0x3FA7]  }
0x29: {  	s4 =	sld [smem:$0x3FA9]  }
0x2a: {  	p0 =	seq.s32 s5, $0x0;
	s5 =	sld [smem:$0x3FAA]  }
0x2b: {  	s6 =	sld [smem:$0x3FAB]  }
0x2c: {  	s7 =	sld [smem:$0x3FAC]  }
0x2d: {  	s3 =	simm.s32 $0x108;
	s8 =	sld [smem:$0x3FAD]  }
0x2e: {  	s3 =	simm.s32 @!p0 $0x1082;
	s9 =	sld [smem:$0x3FAE]  }
0x2f: {  	lr =	sadd.s32 s0, s3;
	s0 =	sld [smem:$0x3FA5]  }
0x30: {  	s3 =	sld [smem:$0x3FA8]  }
0x31: {  	[smem:$0x3FB1] =	sst s10  }
0x32: {  	s10 =	sld [smem:$0x3FAF];
	_ =	sdelay $0x3  }
0x33: {  	p0 =	seq.s32 s10, $0x1;
	s10 =	sld [smem:$0x3FB1];
	_ =	sdelay $0x3  }
0x34: {  	[smem:$0x3FB1] =	sst s10  }
0x35: {  	s10 =	sld [smem:$0x3FB0];
	_ =	sdelay $0x3  }
0x36: {  	p1 =	seq.s32 s10, $0x1;
	s10 =	sld [smem:$0x3FB1];
	_ =	sdelay $0x3  }
0x37: {  	[smem:$0x3FB1] =	sst s10  }
0x38: {  	s10 =	sld [smem:$0x3FB2]  }
0x39: {  	_ = 	snop;
	(pc) =	sbr.ind lr, $3  }
0x3a: {  	_ = 	snop  }
0x3b: {  	_ = 	snop  }
0x3c: {  	p2 =	seq.s32 s10, $0x1;
	s10 =	sld [smem:$0x3FB1]  }
0x3d: {  	_ =	shalt  }
0x3e: {  	_ =	shalt  }
0x3f: {  	_ =	shalt  }
0x40: {  	_ =	shalt  }
0x41: {  	_ =	shalt  }
0x42: {  	_ =	shalt  }
0x43: {  	_ =	shalt  }
0x44: {  	_ =	shalt  }
0x45: {  	_ =	shalt  }
0x46: {  	_ =	shalt  }
0x47: {  	_ =	shalt  }
0x48: {  	_ =	shalt  }
0x49: {  	_ =	shalt  }
0x4a: {  	_ =	shalt  }
0x4b: {  	_ =	shalt  }
0x4c: {  	_ =	shalt  }
0x4d: {  	_ =	shalt  }
0x4e: {  	_ =	shalt  }
0x4f: {  	_ =	shalt  }
0x50: {  	_ =	shalt  }
0x51: {  	_ =	shalt  }
0x52: {  	_ =	shalt  }
0x53: {  	_ =	shalt  }
0x54: {  	_ =	shalt  }
0x55: {  	_ =	shalt  }
0x56: {  	_ =	shalt  }
0x57: {  	_ =	shalt  }
0x58: {  	_ =	shalt  }
0x59: {  	_ =	shalt  }
0x5a: {  	_ =	shalt  }
0x5b: {  	_ =	shalt  }
0x5c: {  	_ =	shalt  }
0x5d: {  	_ =	shalt  }
0x5e: {  	_ =	shalt  }
0x5f: {  	_ =	shalt  }
0x60: {  	_ =	shalt  }
0x61: {  	_ =	shalt  }
0x62: {  	_ =	shalt  }
0x63: {  	_ =	shalt  }
0x64: {  	_ =	shalt  }
0x65: {  	_ =	shalt  }
0x66: {  	_ =	shalt  }
0x67: {  	_ =	shalt  }
0x68: {  	_ =	shalt  }
0x69: {  	_ =	shalt  }
0x6a: {  	_ =	shalt  }
0x6b: {  	_ =	shalt  }
0x6c: {  	_ =	shalt  }
0x6d: {  	_ =	shalt  }
0x6e: {  	_ =	shalt  }
0x6f: {  	_ =	shalt  }
0x70: {  	_ =	shalt  }
0x71: {  	_ =	shalt  }
0x72: {  	_ =	shalt  }
0x73: {  	_ =	shalt  }
0x74: {  	_ =	shalt  }
0x75: {  	_ =	shalt  }
0x76: {  	_ =	shalt  }
0x77: {  	_ =	shalt  }
0x78: {  	_ =	shalt  }
0x79: {  	_ =	shalt  }
0x7a: {  	_ =	shalt  }
0x7b: {  	_ =	shalt  }
0x7c: {  	_ =	shalt  }
0x7d: {  	_ =	shalt  }
0x7e: {  	_ =	shalt  }
0x7f: {  	_ =	shalt  }
0x80: {  	_ =	shalt  }
0x81: {  	_ =	shalt  }
0x82: {  	_ =	shalt  }
0x83: {  	_ =	shalt  }
0x84: {  	_ =	shalt  }
0x85: {  	_ =	shalt  }
0x86: {  	_ =	shalt  }
0x87: {  	_ =	shalt  }
.Lfunc_end0:
.L_simem_size_0:
called_computation_lowered:
.L_overlay_start_0:
0x88: {  	s2 =	sld [smem:$0x3FD9]  }
0x89: {  	s3 =	sld [smem:$0x3FFE];
	_ =	sdelay $0x1  }
0x8a: {  	s1 =	srdreg.scid  }
0x8b: {  	s0 =	sand.u32 $0x1, s1  }
0x8c: {  	s16 =	sshll.u32 s0, $0xA;
	s2 =	sadd.s32 s3, s2  }
0x8d: {  	s2 =	sadd.s32 s2, s16  }
0x8e: {  	[smem:$0x3FBD] =	sst s2  }
0x8f: {  	_ = 	snop  }
0x90: {  	(tm) =	ssettm $0x1  }
0x91: {  	s17 =	sld [smem:$0x3FFB];
	_ =	sdelay $0x3  }
0x92: {  	_ =	strace s17  }
0x93: {  	s2 =	sld [smem:$0x3FFC];
	_ =	sdelay $0x3  }
0x94: {  	_ =	strace s2  }
0x95: {  	s2 =	sld [smem:$0x3FFD];
	_ =	sdelay $0x3  }
0x96: {  	_ =	strace s2  }
0x97: {  	_ =	strace $0x8FFFFFFF  }
0x98: {  	s18 =	sld [smem:$0x3FDB];
	_ =	sdelay $0x1  }
0x99: {  	s19 =	simm.s32 $_scs_section_size  }
0x9a: {  	s4 =	simm.s32 $_size__tile_overlayer_lowered;
	s5 =	simm.s32 $_tile_overlayer_lowered  }
0x9b: {  	s22 =	simm.s32 $0x1BFF;
	s21 =	sshll.u32 s5, $0x1;
	s2 =	sadd.s32 s19, s18  }
0x9c: {  	s6 =	simm.s32 $0x0;
	s20 =	sshll.u32 s4, $0x1;
	s4 =	sadd.s32 s21, s2  }
0x9d: {  	[timem:s6], [sflag:s22] =	dma.local [hbm:s4], s20  }
0x9e: {  	_ =	swait.ge [sflag:s22], s20  }
0x9f: {  	s3 =	ssub.s32 $0x0, s20;
	[sflag:s22] =	ssyncset.done $0x0  }
0xa0: {  	[sflag:s22] =	ssyncadd.s32 s3;
	_ =	sdelay $0x1  }
0xa1: {  	s23 =	simm.s32 $0x1B8B  }
0xa2: {  	_ =	swait.ge [sflag:s23], $0x1  }
0xa3: {  	[sflag:s23] =	ssyncset.done $0x0  }
0xa4: {  	s25 =	simm.s32 $0x1B8E;
	s24 =	sld [smem:$0x3FFE];
	[sflag:s23] =	ssyncadd.s32 $0xFFFFFFFF  }
0xa5: {  	s26 =	simm.s32 $execute0_lowered;
	[smem:$0x3FD2] =	sst s25  }
0xa6: {  	s4 =	sshll.u32 s26, $0x1;
	_ =	strace $0x80000046;
	[dreg:$0x1] =	wrdreg $0xFFFFFFFF  }
0xa7: {  	s28 =	simm.s32 $_size_execute0_lowered;
	s2 =	sadd.s32 s2, s4;
	[dreg:$0x0] =	wrdreg $0x0  }
0xa8: {  	s4 =	sshll.u32 s28, $0x1;
	[dreg:$0x2] =	wrdreg s2  }
0xa9: {  	[dreg:$0x3] =	wrdreg s4  }
0xaa: {  	[dreg:$0x4] =	wrdreg $0xC0  }
0xab: {  	_ =	task [dreg:s6], $0x5FFFF  }
0xac: {  	[dreg:$0x1] =	wrdreg $0xFFFFFFFF  }
0xad: {  	[dreg:$0x0] =	wrdreg $0x60  }
0xae: {  	[dreg:$0x2] =	wrdreg s24  }
0xaf: {  	[dreg:$0x3] =	wrdreg $0x28000  }
0xb0: {  	[dreg:$0x4] =	wrdreg $0x9  }
0xb1: {  	_ =	task.clear_ibuf [dreg:s6], $0x5FFFF;
	_ =	strace $0x90000046  }
0xb2: {  	s29 =	simm.s32 $0x9;
	_ =	strace $0x80000048  }
0xb3: {  	_ =	swait.ge [sflag:s29], $0x1  }
0xb4: {  	[sflag:s29] =	ssyncadd.s32 $0xFFFFFFFF  }
0xb5: {  	_ =	strace $0x90000048  }
0xb6: {  	_ =	sfence  }
0xb7: {  	s30 =	sld [smem:$0x0];
	_ =	sdelay $0x2  }
0xb8: {  	s31 =	sshll.u32 s1, $0xD;
	s1 =	sshrl.u32 s1, $0x2  }
0xb9: {  	s3 =	sand.u32 $0x4000, s31;
	s1 =	sadd.s32 s1, s30  }
0xba: {  	s0 =	sor.u32 s3, s0;
	s1 =	sshll.u32 s1, $0x11  }
0xbb: {  	s0 =	sor.u32 s1, s0  }
0xbc: {  	s0 =	sadd.s32 $0x8F2B, s0  }
0xbd: {  	[sflag:s0] =	ssyncadd.remote.s32 $0x1  }
0xbe: {  	_ =	sfence.sel $0xFFFF  }
0xbf: {  	[dreg:$0x0] =	wrdreg $0xFFFFFFFF;
	(pc) =	sbr.abs _section_cstart, $3  }
0xc0: {  	[dreg:$0x1] =	wrdreg $0xFFFFFFFF  }
0xc1: {  	_ =	task.clear_ibuf [dreg:s6], $0x2FFFF;
	_ =	strace $0x9FFFFFFF  }
0xc2: {  	(tm) =	ssettm $0x7FFFFFFF  }
0xc3: {  	_ =	shalt  }
tec
execute0_lowered:
.L_overlay_start_1:
0x0: {  	(tag) =	ssettag $0x1  }
0x1: {  	s4 =	rddreg [dreg:$0x0]  }
0x2: {  	s0 =	srdreg.scid;
	s2 =	rddreg [dreg:$0x1]  }
0x3: {  	s1 =	stileid.u32;
	s3 =	simm.s32 $0x0;
	s12 =	simm.s32 $0x2780  }
0x4: {  	s13 =	simm.s32 $0x1;
	s14 =	simm.s32 $0x80;
	s17 =	simm.s32 $0x0  }
0x5: {  	s5 =	sand.u32 $0x1, s0;
	s0 =	rddreg [dreg:$0x2];
	s7 =	smul.u32 $0x280, s1  }
0x6: {  	[smem:$0x7FF] =	sst s3;
	s6 =	sshll.u32 s5, $0x4;
	s8 =	smul.u32 $0x2800, s5  }
0x7: {  	s15 =	sshll.u32 s1, $0x6;
	s5 =	ssub.s32 $0x2, s5;
	s6 =	sor.u32 s1, s6  }
0x8: {  	s31 =	sshrl.u32 s5, $0x1;
	s6 =	smul.u32 $0x4F0, s6;
	s8 =	sadd.s32 s7, s8  }
0x9: {  	_ =	strace $0x80000047;
	s11 =	ssub.s32 s5, s31;
	s30 =	sshrl.u32 s8, $0x3  }
0xa: {  	s9 =	sadd.s32 s6, s4;
	s10 =	sadd.s32 s30, s4;
	s4 =	sadd.s32 s7, s2  }
0xb: {  	s15 =	sor.u32 $0x1C01, s15;
	s11 =	smax.u32 s11, $0x1;
	s5 =	sadd.s32 $0x80, s4  }
0xc: {  	s6 =	sadd.s32 $0x100, s4;
	s7 =	sadd.s32 $0x180, s4;
	s8 =	sadd.s32 $0x200, s4  }
0xd: {  	v0 =	vimm.f32 $1.000000000e+00;
	s9 =	sadd.s32 $0x3C00, s9;
	s10 =	sadd.s32 $0xDA00, s10;
	s16 =	sshrl.u32 s4, $0x3  }
.LBB2_1:
0xe: {  	[tilespmem:$0x2780] =	vst v0  }
0xf: {  	[tilespmem:$0x2790] =	vst v0  }
0x10: {  	[tilespmem:$0x27A0] =	vst v0  }
0x11: {  	[tilespmem:$0x27B0] =	vst v0  }
0x12: {  	[tilespmem:$0x27C0] =	vst v0  }
0x13: {  	[tilespmem:$0x27D0] =	vst v0  }
0x14: {  	[tilespmem:$0x27E0] =	vst v0  }
0x15: {  	[tilespmem:$0x27F0] =	vst v0  }
0x16: {  	[spmem:s4] =	stream.linear.scatter [tilespmem:s12], [sflag:$0x1], $0x80, $0x38;
	[tilespmem:$0x2A80] =	vst v63  }
0x17: {  	_ =	swait.ge [sflag:s13], $0x80  }
0x18: {  	[sflag:s13] =	ssyncset.done $0x0  }
0x19: {  	[sflag:s13] =	ssyncadd.s32 $0xFFFFFF80  }
0x1a: {  	[spmem:s5] =	stream.linear.scatter [tilespmem:s12], [sflag:$0x1], $0x80, $0x38;
	[tilespmem:$0x2A80] =	vst v63  }
0x1b: {  	_ =	swait.ge [sflag:s13], $0x80  }
0x1c: {  	[sflag:s13] =	ssyncset.done $0x0  }
0x1d: {  	[sflag:s13] =	ssyncadd.s32 $0xFFFFFF80  }
0x1e: {  	[spmem:s6] =	stream.linear.scatter [tilespmem:s12], [sflag:$0x1], $0x80, $0x38;
	[tilespmem:$0x2A80] =	vst v63  }
0x1f: {  	_ =	swait.ge [sflag:s13], $0x80  }
0x20: {  	[sflag:s13] =	ssyncset.done $0x0  }
0x21: {  	[sflag:s13] =	ssyncadd.s32 $0xFFFFFF80  }
0x22: {  	[spmem:s7] =	stream.linear.scatter [tilespmem:s12], [sflag:$0x1], $0x80, $0x38;
	[tilespmem:$0x2A80] =	vst v63  }
0x23: {  	_ =	swait.ge [sflag:s13], $0x80  }
0x24: {  	[sflag:s13] =	ssyncset.done $0x0  }
0x25: {  	[sflag:s13] =	ssyncadd.s32 $0xFFFFFF80  }
0x26: {  	[spmem:s8] =	stream.linear.scatter [tilespmem:s12], [sflag:$0x1], $0x80, $0x38;
	[tilespmem:$0x2A80] =	vst v63  }
0x27: {  	_ =	swait.ge [sflag:s13], $0x80  }
0x28: {  	[sflag:s13] =	ssyncset.done $0x0  }
0x29: {  	[sflag:s13] =	ssyncadd.s32 $0xFFFFFF80  }
0x2a: {  	[tilespmem:s3], [sflag:$0x1] =	stream.linear.gather [hbm4b:s9+s3], $0x2780, $0x38;
	[tilespmem:$0x2A80] =	vst v63  }
0x2b: {  	_ =	swait.ge [sflag:s13], $0x2780  }
0x2c: {  	[sflag:s13] =	ssyncset.done $0x0  }
0x2d: {  	[sflag:s13] =	ssyncadd.s32 $0xFFFFD880  }
0x2e: {  	s18 =	simm.s32 $0x0;
	[bflag:$0x0] =	sbarrier.arrive $0xFFFF  }
0x2f: {  	[spmem:s2] =	stream.indirect.scatter.add.f32 [tilespmem:s12], [sflag:$0x1], $0x1, s18, s14, $0xb8;
	[tilespmem:$0x2A80] =	vst v63  }
0x30: {  	_ =	swait.ge [sflag:s13], $0x80  }
0x31: {  	s18 =	simm.s32 $0x200;
	[sflag:s13] =	ssyncset.done $0x0  }
.LBB2_2:
0x32: {  	s19 =	sshra.s32 s18, $0x2;
	[sflag:s13] =	ssyncadd.s32 $0xFFFFFF80;
	p0 =	sne.s32 s18, $0x9C00  }
0x33: {  	[spmem:s2] =	stream.indirect.scatter.add.f32 [tilespmem:s12], [sflag:$0x1], $0x1, s19, s14, $0xb8;
	[tilespmem:$0x2A80] =	vst v63  }
.Ltmp0:
0x34: {  	_ = 	snop;
	(pc) =	sbr.rel @p0 .LBB2_2-.Ltmp0, $4  }
0x35: {  	_ = 	snop  }
0x36: {  	s18 =	sadd.s32 $0x200, s18  }
0x37: {  	_ =	swait.ge [sflag:s13], $0x80  }
0x38: {  	[sflag:s13] =	ssyncset.done $0x0  }
0x39: {  	s17 =	sadd.s32 $0x1, s17  }
0x3a: {  	[sflag:s13] =	ssyncadd.s32 $0xFFFFFF80;
	p0 =	sne.s32 s17, s11  }
.Ltmp1:
0x3b: {  	[bflag:$0x0] =	sbarrier.arrive $0xFFFF;
	(pc) =	sbr.rel @p0 .LBB2_1-.Ltmp1, $4  }
0x3c: {  	[hbm:s10], [sflag:s15] =	dma.local [spmem:s16], $0x50  }
0x3d: {  	_ =	swait.ge [sflag:s13], $0x50  }
0x3e: {  	[sflag:s13] =	ssyncset.done $0x0  }
0x3f: {  	[sflag:s13] =	ssyncadd.s32 $0xFFFFFFB0  }
0x40: {  	_ =	sfence.sel $0x180000  }
0x41: {  	[bflag:$0x0] =	sbarrier.arrive $0xFFFF  }
0x42: {  	p0 =	sne.s32 s1, $0x0;
	_ =	strace $0x90000047  }
0x43: {  	s0 =	sadd.s32 @!p0 $0x100000, s0;
	[bflag:$0x2] =	sbarrier.arrive $0xFFFF  }
0x44: {  	[sflag:s0] =	ssyncadd.tile.s32 @!p0 $0x1;
	_ =	shalt  }
.Lfunc_end2:
_tile_overlayer_lowered:
.L_overlay_start_2:
0x45: {  	(tag) =	ssettag $0x2  }
0x46: {  	s0 =	rddreg [dreg:$0x0];
	s2 =	stileid.u32  }
0x47: {  	s1 =	rddreg [dreg:$0x1];
	p0 =	sne.s32 s2, $0x0  }
0x48: {  	s3 =	rddreg [dreg:$0x2];
	[bflag:$0x3] =	sbarrier.arrive $0xFFFF;
	s2 =	simm.s32 @!p0 $0x1C01  }
0x49: {  	[timem:s3], [sflag:s2] =	dma.local @!p0 [hbm:s0], s1  }
0x4a: {  	s0 =	simm.s32 @!p0 $0x1  }
0x4b: {  	_ =	swait.ge @!p0 [sflag:s0], s1  }
0x4c: {  	s1 =	ssub.s32 @!p0 $0x0, s1;
	[sflag:s0] =	ssyncset.done @!p0 $0x0  }
0x4d: {  	[sflag:s0] =	ssyncadd.s32 @!p0 s1  }
0x4e: {  	[bflag:$0x3] =	sbarrier.arrive $0xFFFF  }
0x4f: {  	_ =	shalt  }

</sc_bundles>
